<compile_context>
chip_gen: v7x
topology: tpu7x:2x2x1
jax: 0.10.2.dev20260603
libtpu: 0.0.44.dev20260713+nightly
codegen_flags: <defaults>
</compile_context>

<pallas_src>
import functools

import jax
import jax.numpy as jnp
from jax import lax
from jax.experimental import pallas as pl
from jax.experimental.pallas import tpu as pltpu
from jax.experimental.pallas import tpu_sc as plsc

N_USERS = 1000000
N_ITEMS = 1000000
D = 64
B = 16384

NC = 2
NS = 16
NW = NC * NS
BPW = B // NW
CHUNK = 32
NCH = BPW // CHUNK
NBROW = (N_USERS + 127) // 128


@functools.partial(
    pl.kernel,
    out_type=jax.ShapeDtypeStruct((B,), jnp.float32),
    mesh=plsc.VectorSubcoreMesh(core_axis_name="c", subcore_axis_name="s"),
    compiler_params=pltpu.CompilerParams(
        needs_layout_passes=False, use_tc_tiling_on_sc=True),
    scratch_types=[
        pltpu.VMEM((BPW,), jnp.int32),
        pltpu.VMEM((BPW,), jnp.int32),
        pltpu.VMEM((BPW,), jnp.int32),
        pltpu.VMEM((BPW,), jnp.int32),
        pltpu.VMEM((CHUNK, 128), jnp.float32),
        pltpu.VMEM((CHUNK, 128), jnp.float32),
        pltpu.VMEM((CHUNK, 128), jnp.float32),
        pltpu.VMEM((CHUNK, 128), jnp.float32),
        pltpu.VMEM((BPW,), jnp.float32),
        pltpu.SemaphoreType.DMA,
    ],
)
def _lfm_sc(users_h, items_h, uep, iep, ubp, ibp, out,
            uidx_v, iidx_v, ubr_v, ibr_v,
            ug_v, ig_v, ubg_v, ibg_v, out_v, sem):
    wid = lax.axis_index("s") * NC + lax.axis_index("c")
    base = wid * BPW

    pltpu.sync_copy(users_h.at[pl.ds(base, BPW)], uidx_v)
    pltpu.sync_copy(items_h.at[pl.ds(base, BPW)], iidx_v)

    def derive(j, carry):
        sl = pl.ds(j * 16, 16)
        ubr_v[sl] = lax.shift_right_logical(uidx_v[sl], 7)
        ibr_v[sl] = lax.shift_right_logical(iidx_v[sl], 7)
        return carry

    lax.fori_loop(0, BPW // 16, derive, 0)

    lane = lax.iota(jnp.int32, 16)

    def chunk_body(c, carry):
        cbase = c * CHUNK
        csl = pl.ds(cbase, CHUNK)
        cps = [
            pltpu.async_copy(uep.at[uidx_v.at[csl]], ug_v, sem),
            pltpu.async_copy(iep.at[iidx_v.at[csl]], ig_v, sem),
            pltpu.async_copy(ubp.at[ubr_v.at[csl]], ubg_v, sem),
            pltpu.async_copy(ibp.at[ibr_v.at[csl]], ibg_v, sem),
        ]
        for cp in cps:
            cp.wait()

        for g in range(CHUNK // 16):
            sl = pl.ds(cbase + g * 16, 16)
            uvec = uidx_v[sl]
            ivec = iidx_v[sl]
            row16 = g * 16 + lane
            tot = plsc.load_gather(ubg_v, [row16, uvec & 127])
            tot = tot + plsc.load_gather(ibg_v, [row16, ivec & 127])
            for l in range(16):
                r = g * 16 + l
                acc = (ug_v[r, pl.ds(0, 16)] * ig_v[r, pl.ds(0, 16)]
                       + ug_v[r, pl.ds(16, 16)] * ig_v[r, pl.ds(16, 16)])
                acc = acc + (ug_v[r, pl.ds(32, 16)] * ig_v[r, pl.ds(32, 16)]
                             + ug_v[r, pl.ds(48, 16)] * ig_v[r, pl.ds(48, 16)])
                tot = jnp.where(lane == l, tot + jnp.sum(acc), tot)
            out_v[sl] = tot
        return carry

    lax.fori_loop(0, NCH, chunk_body, 0)

    pltpu.sync_copy(out_v, out.at[pl.ds(base, BPW)])


def kernel(users, items, user_embeddings, item_embeddings, user_biases, item_biases):
    uep = jnp.pad(user_embeddings, ((0, 0), (0, 128 - D)))
    iep = jnp.pad(item_embeddings, ((0, 0), (0, 128 - D)))
    ubp = jnp.pad(user_biases.reshape(N_USERS),
                  (0, NBROW * 128 - N_USERS)).reshape(NBROW, 128)
    ibp = jnp.pad(item_biases.reshape(N_ITEMS),
                  (0, NBROW * 128 - N_ITEMS)).reshape(NBROW, 128)
    return _lfm_sc(users.astype(jnp.int32), items.astype(jnp.int32),
                   uep, iep, ubp, ibp)

# --- scband reference (transcript-rebuilt; emitter-appended) ---
"""Pipeline reference for scband-lfm-49160195670568 (READ-ONLY COPY).

The authoritative reference and input builder live on the scoring server;
editing this copy changes nothing except your own understanding.
"""

import jax, jax.numpy as jnp
import numpy as np

N_USERS = 1000000
N_ITEMS = 1000000
N_FACTORS = 64
BATCH = 16384

def setup_inputs(seed: int = 0) -> dict:
    key = jax.random.key(seed)
    k1, k2, k3, k4, k5, k6 = jax.random.split(key, 6)
    users = jax.random.randint(k1, (BATCH,), 0, N_USERS, dtype=jnp.int64) if jax.config.jax_enable_x64 else jax.random.randint(k1, (BATCH,), 0, N_USERS, dtype=jnp.int32)
    items = jax.random.randint(k2, (BATCH,), 0, N_ITEMS, dtype=jnp.int32)
    user_embeddings = jax.random.normal(k3, (N_USERS, N_FACTORS), dtype=jnp.float32)
    item_embeddings = jax.random.normal(k4, (N_ITEMS, N_FACTORS), dtype=jnp.float32)
    user_biases = jax.random.normal(k5, (N_USERS, 1), dtype=jnp.float32)
    item_biases = jax.random.normal(k6, (N_ITEMS, 1), dtype=jnp.float32)
    return {
        'users': users,
        'items': items,
        'user_embeddings': user_embeddings,
        'item_embeddings': item_embeddings,
        'user_biases': user_biases,
        'item_biases': item_biases,
    }

def reference(users, items, user_embeddings, item_embeddings, user_biases, item_biases):
    ues = jnp.take(user_embeddings, users, axis=0)
    uis = jnp.take(item_embeddings, items, axis=0)
    preds = jnp.take(user_biases, users, axis=0)
    preds = preds + jnp.take(item_biases, items, axis=0)
    preds = preds + jnp.sum(ues * uis, axis=1, keepdims=True)
    return jnp.squeeze(preds)

if __name__ == "__main__":
    import jax
    _d = setup_inputs()
    print(jax.jit(kernel)(*tuple(_d.values())))

</pallas_src>

<mosaic_0001>
#map = affine_map<(d0, d1) -> (0)>
#map1 = affine_map<(d0, d1) -> (0, 0)>
module attributes {stable_mosaic.version = 14 : i64} {
  func.func @_lfm_sc(%arg0: i32, %arg1: i32, %arg2: memref<16384xi32, #tpu.memory_space<hbm>>, %arg3: memref<16384xi32, #tpu.memory_space<hbm>>, %arg4: memref<1000000x128xf32, #tpu.memory_space<hbm>>, %arg5: memref<1000000x128xf32, #tpu.memory_space<hbm>>, %arg6: memref<7813x128xf32, #tpu.memory_space<hbm>>, %arg7: memref<7813x128xf32, #tpu.memory_space<hbm>>, %arg8: memref<16384xf32, #tpu.memory_space<hbm>>, %arg9: memref<512xi32, #tpu.memory_space<vmem>>, %arg10: memref<512xi32, #tpu.memory_space<vmem>>, %arg11: memref<512xi32, #tpu.memory_space<vmem>>, %arg12: memref<512xi32, #tpu.memory_space<vmem>>, %arg13: memref<32x128xf32, #tpu.memory_space<vmem>>, %arg14: memref<32x128xf32, #tpu.memory_space<vmem>>, %arg15: memref<32x128xf32, #tpu.memory_space<vmem>>, %arg16: memref<32x128xf32, #tpu.memory_space<vmem>>, %arg17: memref<512xf32, #tpu.memory_space<vmem>>, %arg18: memref<!tpu.dma_semaphore, #tpu.memory_space<semaphore_mem>>) attributes {dimension_semantics = [#tpu.dimension_semantics<core_parallel>, #tpu.dimension_semantics<subcore_parallel>], iteration_bounds = array<i64: 2, 16>, scalar_prefetch = 0 : i64, scratch_operands = 10 : i64, tpu.core_type = #tpu.core_type<sc_vector_subcore>, window_params = [{transform_indices = #map}, {transform_indices = #map}, {transform_indices = #map1}, {transform_indices = #map1}, {transform_indices = #map1}, {transform_indices = #map1}, {transform_indices = #map}]} {
    %mul3A = arith.constant 2 : i32
    %mul3A_0 = arith.muli %arg1, %mul3A : i32
    %add3A = arith.addi %mul3A_0, %arg0 : i32
    %mul3A_1 = arith.constant 512 : i32
    %mul3A_2 = arith.muli %add3A, %mul3A_1 : i32
    "tpu.region"() ({
      %run_scoped3A = tpu.sem_alloc : memref<!tpu.dma_semaphore, #tpu.memory_space<semaphore_mem>>
      %dma_start3A = tpu.memref_slice %arg2[%mul3A_2] : memref<16384xi32, #tpu.memory_space<hbm>> -> memref<512xi32, #tpu.memory_space<hbm>>
      %dma_start3A_14 = tpu.memref_slice %arg2[%mul3A_2] : memref<16384xi32, #tpu.memory_space<hbm>> -> memref<512xi32, #tpu.memory_space<hbm>>
      tpu.enqueue_dma source(%dma_start3A_14 : memref<512xi32, #tpu.memory_space<hbm>>) target(%arg9 : memref<512xi32, #tpu.memory_space<vmem>>) target_semaphore(%run_scoped3A : memref<!tpu.dma_semaphore, #tpu.memory_space<semaphore_mem>>)
      %dma_wait3A = tpu.memref_slice %arg2[%mul3A_2] : memref<16384xi32, #tpu.memory_space<hbm>> -> memref<512xi32, #tpu.memory_space<hbm>>
      %dma_wait3A_15 = tpu.memref_slice %arg2[%mul3A_2] : memref<16384xi32, #tpu.memory_space<hbm>> -> memref<512xi32, #tpu.memory_space<hbm>>
      tpu.wait_dma2 semaphore(%run_scoped3A : memref<!tpu.dma_semaphore, #tpu.memory_space<semaphore_mem>>) src(%dma_wait3A_15 : memref<512xi32, #tpu.memory_space<hbm>>) dst(%arg9 : memref<512xi32, #tpu.memory_space<vmem>>)
      tpu.yield
    }) : () -> ()
    "tpu.region"() ({
      %run_scoped3A = tpu.sem_alloc : memref<!tpu.dma_semaphore, #tpu.memory_space<semaphore_mem>>
      %dma_start3A = tpu.memref_slice %arg3[%mul3A_2] : memref<16384xi32, #tpu.memory_space<hbm>> -> memref<512xi32, #tpu.memory_space<hbm>>
      %dma_start3A_14 = tpu.memref_slice %arg3[%mul3A_2] : memref<16384xi32, #tpu.memory_space<hbm>> -> memref<512xi32, #tpu.memory_space<hbm>>
      tpu.enqueue_dma source(%dma_start3A_14 : memref<512xi32, #tpu.memory_space<hbm>>) target(%arg10 : memref<512xi32, #tpu.memory_space<vmem>>) target_semaphore(%run_scoped3A : memref<!tpu.dma_semaphore, #tpu.memory_space<semaphore_mem>>)
      %dma_wait3A = tpu.memref_slice %arg3[%mul3A_2] : memref<16384xi32, #tpu.memory_space<hbm>> -> memref<512xi32, #tpu.memory_space<hbm>>
      %dma_wait3A_15 = tpu.memref_slice %arg3[%mul3A_2] : memref<16384xi32, #tpu.memory_space<hbm>> -> memref<512xi32, #tpu.memory_space<hbm>>
      tpu.wait_dma2 semaphore(%run_scoped3A : memref<!tpu.dma_semaphore, #tpu.memory_space<semaphore_mem>>) src(%dma_wait3A_15 : memref<512xi32, #tpu.memory_space<hbm>>) dst(%arg10 : memref<512xi32, #tpu.memory_space<vmem>>)
      tpu.yield
    }) : () -> ()
    %scan3A = arith.constant 0 : i32
    %scan3A_3 = arith.constant 0 : i32
    %scan3A_4 = arith.constant 32 : i32
    %scan3A_5 = arith.addi %scan3A_3, %scan3A_4 : i32
    %scan3A_6 = arith.constant 1 : i32
    scf.for %scan3A_14 = %scan3A_3 to %scan3A_5 step %scan3A_6  : i32 {
      %mul3A_15 = arith.constant 16 : i32
      %mul3A_16 = arith.muli %scan3A_14, %mul3A_15 : i32
      %get3A = arith.index_cast %mul3A_16 : i32 to index
      %get3A_17 = tpu.vector_load %arg9[%get3A] {strides = array<i32>} : memref<512xi32, #tpu.memory_space<vmem>>, vector<16xi32>,
      %shift_right_logical3A = arith.constant 7 : i32
      %shift_right_logical3A_18 = vector.broadcast %shift_right_logical3A : i32 to vector<16xi32>
      %shift_right_logical3A_19 = arith.shrui %get3A_17, %shift_right_logical3A_18 : vector<16xi32>
      %swap3A = arith.index_cast %mul3A_16 : i32 to index
      %swap3A_20 = tpu.vector_load %arg11[%swap3A] {strides = array<i32>} : memref<512xi32, #tpu.memory_space<vmem>>, vector<16xi32>,
      tpu.vector_store %arg11[%swap3A], %shift_right_logical3A_19 {strides = array<i32>} : memref<512xi32, #tpu.memory_space<vmem>>, vector<16xi32>,
      %get3A_21 = arith.index_cast %mul3A_16 : i32 to index
      %get3A_22 = tpu.vector_load %arg10[%get3A_21] {strides = array<i32>} : memref<512xi32, #tpu.memory_space<vmem>>, vector<16xi32>,
      %shift_right_logical3A_23 = arith.constant 7 : i32
      %shift_right_logical3A_24 = vector.broadcast %shift_right_logical3A_23 : i32 to vector<16xi32>
      %shift_right_logical3A_25 = arith.shrui %get3A_22, %shift_right_logical3A_24 : vector<16xi32>
      %swap3A_26 = arith.index_cast %mul3A_16 : i32 to index
      %swap3A_27 = tpu.vector_load %arg12[%swap3A_26] {strides = array<i32>} : memref<512xi32, #tpu.memory_space<vmem>>, vector<16xi32>,
      tpu.vector_store %arg12[%swap3A_26], %shift_right_logical3A_25 {strides = array<i32>} : memref<512xi32, #tpu.memory_space<vmem>>, vector<16xi32>,
    }
    %scan3A_7 = arith.constant 32 : i32
    %iota3A = tpu.iota {dimensions = array<i32: 0>} : vector<16xi32>
    %scan3A_8 = arith.constant 0 : i32
    %scan3A_9 = arith.constant 0 : i32
    %scan3A_10 = arith.constant 16 : i32
    %scan3A_11 = arith.addi %scan3A_9, %scan3A_10 : i32
    %scan3A_12 = arith.constant 1 : i32
    scf.for %scan3A_14 = %scan3A_9 to %scan3A_11 step %scan3A_12  : i32 {
      %mul3A_15 = arith.constant 32 : i32
      %mul3A_16 = arith.muli %scan3A_14, %mul3A_15 : i32
      %dma_start3A = tpu.memref_slice %arg9[%mul3A_16] : memref<512xi32, #tpu.memory_space<vmem>> -> memref<32xi32, #tpu.memory_space<vmem>>
      %dma_start3A_17 = arith.constant 0 : i32
      %dma_start3A_18 = arith.constant 0 : i32
      %dma_start3A_19 = tpu.memref_slice %arg4[%dma_start3A_17, %dma_start3A_18] : memref<1000000x128xf32, #tpu.memory_space<hbm>> -> memref<1000000x128xf32, #tpu.memory_space<hbm>>
      tpu.enqueue_indirect_dma source(%dma_start3A_19 : memref<1000000x128xf32, #tpu.memory_space<hbm>>) target(%arg13 : memref<32x128xf32, #tpu.memory_space<vmem>>) offsets(%dma_start3A : memref<32xi32, #tpu.memory_space<vmem>>) semaphore(%arg18 : memref<!tpu.dma_semaphore, #tpu.memory_space<semaphore_mem>>)
      %dma_start3A_20 = tpu.memref_slice %arg10[%mul3A_16] : memref<512xi32, #tpu.memory_space<vmem>> -> memref<32xi32, #tpu.memory_space<vmem>>
      %dma_start3A_21 = arith.constant 0 : i32
      %dma_start3A_22 = arith.constant 0 : i32
      %dma_start3A_23 = tpu.memref_slice %arg5[%dma_start3A_21, %dma_start3A_22] : memref<1000000x128xf32, #tpu.memory_space<hbm>> -> memref<1000000x128xf32, #tpu.memory_space<hbm>>
      tpu.enqueue_indirect_dma source(%dma_start3A_23 : memref<1000000x128xf32, #tpu.memory_space<hbm>>) target(%arg14 : memref<32x128xf32, #tpu.memory_space<vmem>>) offsets(%dma_start3A_20 : memref<32xi32, #tpu.memory_space<vmem>>) semaphore(%arg18 : memref<!tpu.dma_semaphore, #tpu.memory_space<semaphore_mem>>)
      %dma_start3A_24 = tpu.memref_slice %arg11[%mul3A_16] : memref<512xi32, #tpu.memory_space<vmem>> -> memref<32xi32, #tpu.memory_space<vmem>>
      %dma_start3A_25 = arith.constant 0 : i32
      %dma_start3A_26 = arith.constant 0 : i32
      %dma_start3A_27 = tpu.memref_slice %arg6[%dma_start3A_25, %dma_start3A_26] : memref<7813x128xf32, #tpu.memory_space<hbm>> -> memref<7813x128xf32, #tpu.memory_space<hbm>>
      tpu.enqueue_indirect_dma source(%dma_start3A_27 : memref<7813x128xf32, #tpu.memory_space<hbm>>) target(%arg15 : memref<32x128xf32, #tpu.memory_space<vmem>>) offsets(%dma_start3A_24 : memref<32xi32, #tpu.memory_space<vmem>>) semaphore(%arg18 : memref<!tpu.dma_semaphore, #tpu.memory_space<semaphore_mem>>)
      %dma_start3A_28 = tpu.memref_slice %arg12[%mul3A_16] : memref<512xi32, #tpu.memory_space<vmem>> -> memref<32xi32, #tpu.memory_space<vmem>>
      %dma_start3A_29 = arith.constant 0 : i32
      %dma_start3A_30 = arith.constant 0 : i32
      %dma_start3A_31 = tpu.memref_slice %arg7[%dma_start3A_29, %dma_start3A_30] : memref<7813x128xf32, #tpu.memory_space<hbm>> -> memref<7813x128xf32, #tpu.memory_space<hbm>>
      tpu.enqueue_indirect_dma source(%dma_start3A_31 : memref<7813x128xf32, #tpu.memory_space<hbm>>) target(%arg16 : memref<32x128xf32, #tpu.memory_space<vmem>>) offsets(%dma_start3A_28 : memref<32xi32, #tpu.memory_space<vmem>>) semaphore(%arg18 : memref<!tpu.dma_semaphore, #tpu.memory_space<semaphore_mem>>)
      %dma_wait3A = tpu.memref_slice %arg9[%mul3A_16] : memref<512xi32, #tpu.memory_space<vmem>> -> memref<32xi32, #tpu.memory_space<vmem>>
      %dma_wait3A_32 = arith.constant 0 : i32
      %dma_wait3A_33 = arith.constant 0 : i32
      %dma_wait3A_34 = tpu.memref_slice %arg4[%dma_wait3A_32, %dma_wait3A_33] : memref<1000000x128xf32, #tpu.memory_space<hbm>> -> memref<1000000x128xf32, #tpu.memory_space<hbm>>
      tpu.wait_indirect_dma semaphore(%arg18 : memref<!tpu.dma_semaphore, #tpu.memory_space<semaphore_mem>>) src(%dma_wait3A_34 : memref<1000000x128xf32, #tpu.memory_space<hbm>>) dst(%arg13 : memref<32x128xf32, #tpu.memory_space<vmem>>)
      %dma_wait3A_35 = tpu.memref_slice %arg10[%mul3A_16] : memref<512xi32, #tpu.memory_space<vmem>> -> memref<32xi32, #tpu.memory_space<vmem>>
      %dma_wait3A_36 = arith.constant 0 : i32
      %dma_wait3A_37 = arith.constant 0 : i32
      %dma_wait3A_38 = tpu.memref_slice %arg5[%dma_wait3A_36, %dma_wait3A_37] : memref<1000000x128xf32, #tpu.memory_space<hbm>> -> memref<1000000x128xf32, #tpu.memory_space<hbm>>
      tpu.wait_indirect_dma semaphore(%arg18 : memref<!tpu.dma_semaphore, #tpu.memory_space<semaphore_mem>>) src(%dma_wait3A_38 : memref<1000000x128xf32, #tpu.memory_space<hbm>>) dst(%arg14 : memref<32x128xf32, #tpu.memory_space<vmem>>)
      %dma_wait3A_39 = tpu.memref_slice %arg11[%mul3A_16] : memref<512xi32, #tpu.memory_space<vmem>> -> memref<32xi32, #tpu.memory_space<vmem>>
      %dma_wait3A_40 = arith.constant 0 : i32
      %dma_wait3A_41 = arith.constant 0 : i32
      %dma_wait3A_42 = tpu.memref_slice %arg6[%dma_wait3A_40, %dma_wait3A_41] : memref<7813x128xf32, #tpu.memory_space<hbm>> -> memref<7813x128xf32, #tpu.memory_space<hbm>>
      tpu.wait_indirect_dma semaphore(%arg18 : memref<!tpu.dma_semaphore, #tpu.memory_space<semaphore_mem>>) src(%dma_wait3A_42 : memref<7813x128xf32, #tpu.memory_space<hbm>>) dst(%arg15 : memref<32x128xf32, #tpu.memory_space<vmem>>)
      %dma_wait3A_43 = tpu.memref_slice %arg12[%mul3A_16] : memref<512xi32, #tpu.memory_space<vmem>> -> memref<32xi32, #tpu.memory_space<vmem>>
      %dma_wait3A_44 = arith.constant 0 : i32
      %dma_wait3A_45 = arith.constant 0 : i32
      %dma_wait3A_46 = tpu.memref_slice %arg7[%dma_wait3A_44, %dma_wait3A_45] : memref<7813x128xf32, #tpu.memory_space<hbm>> -> memref<7813x128xf32, #tpu.memory_space<hbm>>
      tpu.wait_indirect_dma semaphore(%arg18 : memref<!tpu.dma_semaphore, #tpu.memory_space<semaphore_mem>>) src(%dma_wait3A_46 : memref<7813x128xf32, #tpu.memory_space<hbm>>) dst(%arg16 : memref<32x128xf32, #tpu.memory_space<vmem>>)
      %add3A_47 = arith.constant 0 : i32
      %add3A_48 = arith.addi %mul3A_16, %add3A_47 : i32
      %get3A = arith.index_cast %add3A_48 : i32 to index
      %get3A_49 = tpu.vector_load %arg9[%get3A] {strides = array<i32>} : memref<512xi32, #tpu.memory_space<vmem>>, vector<16xi32>,
      %get3A_50 = arith.index_cast %add3A_48 : i32 to index
      %get3A_51 = tpu.vector_load %arg10[%get3A_50] {strides = array<i32>} : memref<512xi32, #tpu.memory_space<vmem>>, vector<16xi32>,
      %add3A_52 = arith.constant 0 : i32
      %add3A_53 = vector.broadcast %add3A_52 : i32 to vector<16xi32>
      %add3A_54 = arith.addi %add3A_53, %iota3A : vector<16xi32>
      %and3A = arith.constant 127 : i32
      %and3A_55 = vector.broadcast %and3A : i32 to vector<16xi32>
      %and3A_56 = arith.andi %get3A_49, %and3A_55 : vector<16xi32>
      %gather3A = tpu.vector_load_idx %arg15[%add3A_54, %and3A_56] : memref<32x128xf32, #tpu.memory_space<vmem>>[vector<16xi32>, vector<16xi32>], vector<16xf32>,
      %and3A_57 = arith.constant 127 : i32
      %and3A_58 = vector.broadcast %and3A_57 : i32 to vector<16xi32>
      %and3A_59 = arith.andi %get3A_51, %and3A_58 : vector<16xi32>
      %gather3A_60 = tpu.vector_load_idx %arg16[%add3A_54, %and3A_59] : memref<32x128xf32, #tpu.memory_space<vmem>>[vector<16xi32>, vector<16xi32>], vector<16xf32>,
      %add3A_61 = arith.addf %gather3A, %gather3A_60 : vector<16xf32>
      %get3A_62 = arith.constant 0 : i32
      %get3A_63 = arith.index_cast %get3A_62 : i32 to index
      %get3A_64 = arith.constant 0 : index
      %get3A_65 = tpu.vector_load %arg13[%get3A_63, %get3A_64] {strides = array<i32>} : memref<32x128xf32, #tpu.memory_space<vmem>>, vector<16xf32>,
      %get3A_66 = arith.constant 0 : i32
      %get3A_67 = arith.index_cast %get3A_66 : i32 to index
      %get3A_68 = arith.constant 0 : index
      %get3A_69 = tpu.vector_load %arg14[%get3A_67, %get3A_68] {strides = array<i32>} : memref<32x128xf32, #tpu.memory_space<vmem>>, vector<16xf32>,
      %mul3A_70 = arith.mulf %get3A_65, %get3A_69 : vector<16xf32>
      %get3A_71 = arith.constant 0 : i32
      %get3A_72 = arith.index_cast %get3A_71 : i32 to index
      %get3A_73 = arith.constant 16 : index
      %get3A_74 = tpu.vector_load %arg13[%get3A_72, %get3A_73] {strides = array<i32>} : memref<32x128xf32, #tpu.memory_space<vmem>>, vector<16xf32>,
      %get3A_75 = arith.constant 0 : i32
      %get3A_76 = arith.index_cast %get3A_75 : i32 to index
      %get3A_77 = arith.constant 16 : index
      %get3A_78 = tpu.vector_load %arg14[%get3A_76, %get3A_77] {strides = array<i32>} : memref<32x128xf32, #tpu.memory_space<vmem>>, vector<16xf32>,
      %mul3A_79 = arith.mulf %get3A_74, %get3A_78 : vector<16xf32>
      %add3A_80 = arith.addf %mul3A_70, %mul3A_79 : vector<16xf32>
      %get3A_81 = arith.constant 0 : i32
      %get3A_82 = arith.index_cast %get3A_81 : i32 to index
      %get3A_83 = arith.constant 32 : index
      %get3A_84 = tpu.vector_load %arg13[%get3A_82, %get3A_83] {strides = array<i32>} : memref<32x128xf32, #tpu.memory_space<vmem>>, vector<16xf32>,
      %get3A_85 = arith.constant 0 : i32
      %get3A_86 = arith.index_cast %get3A_85 : i32 to index
      %get3A_87 = arith.constant 32 : index
      %get3A_88 = tpu.vector_load %arg14[%get3A_86, %get3A_87] {strides = array<i32>} : memref<32x128xf32, #tpu.memory_space<vmem>>, vector<16xf32>,
      %mul3A_89 = arith.mulf %get3A_84, %get3A_88 : vector<16xf32>
      %get3A_90 = arith.constant 0 : i32
      %get3A_91 = arith.index_cast %get3A_90 : i32 to index
      %get3A_92 = arith.constant 48 : index
      %get3A_93 = tpu.vector_load %arg13[%get3A_91, %get3A_92] {strides = array<i32>} : memref<32x128xf32, #tpu.memory_space<vmem>>, vector<16xf32>,
      %get3A_94 = arith.constant 0 : i32
      %get3A_95 = arith.index_cast %get3A_94 : i32 to index
      %get3A_96 = arith.constant 48 : index
      %get3A_97 = tpu.vector_load %arg14[%get3A_95, %get3A_96] {strides = array<i32>} : memref<32x128xf32, #tpu.memory_space<vmem>>, vector<16xf32>,
      %mul3A_98 = arith.mulf %get3A_93, %get3A_97 : vector<16xf32>
      %add3A_99 = arith.addf %mul3A_89, %mul3A_98 : vector<16xf32>
      %add3A_100 = arith.addf %add3A_80, %add3A_99 : vector<16xf32>
      %eq3A = arith.constant 0 : i32
      %eq3A_101 = vector.broadcast %eq3A : i32 to vector<16xi32>
      %eq3A_102 = arith.cmpi eq, %iota3A, %eq3A_101 : vector<16xi32>
      %reduce_sum3A = arith.constant true
      %reduce_sum3A_103 = vector.broadcast %reduce_sum3A : i1 to vector<16xi1>
      %reduce_sum3A_104 = tpu.scan <sum>, %add3A_100 masked %reduce_sum3A_103 : vector<16xf32>, vector<16xi1> -> vector<16xf32>
      %reduce_sum3A_105 = vector.extract %reduce_sum3A_104[15] : f32 from vector<16xf32>
      %add3A_106 = vector.broadcast %reduce_sum3A_105 : f32 to vector<16xf32>
      %add3A_107 = arith.addf %add3A_61, %add3A_106 : vector<16xf32>
      %select_n3A = arith.select %eq3A_102, %add3A_107, %add3A_61 : vector<16xi1>, vector<16xf32>
      %get3A_108 = arith.constant 1 : i32
      %get3A_109 = arith.index_cast %get3A_108 : i32 to index
      %get3A_110 = arith.constant 0 : index
      %get3A_111 = tpu.vector_load %arg13[%get3A_109, %get3A_110] {strides = array<i32>} : memref<32x128xf32, #tpu.memory_space<vmem>>, vector<16xf32>,
      %get3A_112 = arith.constant 1 : i32
      %get3A_113 = arith.index_cast %get3A_112 : i32 to index
      %get3A_114 = arith.constant 0 : index
      %get3A_115 = tpu.vector_load %arg14[%get3A_113, %get3A_114] {strides = array<i32>} : memref<32x128xf32, #tpu.memory_space<vmem>>, vector<16xf32>,
      %mul3A_116 = arith.mulf %get3A_111, %get3A_115 : vector<16xf32>
      %get3A_117 = arith.constant 1 : i32
      %get3A_118 = arith.index_cast %get3A_117 : i32 to index
      %get3A_119 = arith.constant 16 : index
      %get3A_120 = tpu.vector_load %arg13[%get3A_118, %get3A_119] {strides = array<i32>} : memref<32x128xf32, #tpu.memory_space<vmem>>, vector<16xf32>,
      %get3A_121 = arith.constant 1 : i32
      %get3A_122 = arith.index_cast %get3A_121 : i32 to index
      %get3A_123 = arith.constant 16 : index
      %get3A_124 = tpu.vector_load %arg14[%get3A_122, %get3A_123] {strides = array<i32>} : memref<32x128xf32, #tpu.memory_space<vmem>>, vector<16xf32>,
      %mul3A_125 = arith.mulf %get3A_120, %get3A_124 : vector<16xf32>
      %add3A_126 = arith.addf %mul3A_116, %mul3A_125 : vector<16xf32>
      %get3A_127 = arith.constant 1 : i32
      %get3A_128 = arith.index_cast %get3A_127 : i32 to index
      %get3A_129 = arith.constant 32 : index
      %get3A_130 = tpu.vector_load %arg13[%get3A_128, %get3A_129] {strides = array<i32>} : memref<32x128xf32, #tpu.memory_space<vmem>>, vector<16xf32>,
      %get3A_131 = arith.constant 1 : i32
      %get3A_132 = arith.index_cast %get3A_131 : i32 to index
      %get3A_133 = arith.constant 32 : index
      %get3A_134 = tpu.vector_load %arg14[%get3A_132, %get3A_133] {strides = array<i32>} : memref<32x128xf32, #tpu.memory_space<vmem>>, vector<16xf32>,
      %mul3A_135 = arith.mulf %get3A_130, %get3A_134 : vector<16xf32>
      %get3A_136 = arith.constant 1 : i32
      %get3A_137 = arith.index_cast %get3A_136 : i32 to index
      %get3A_138 = arith.constant 48 : index
      %get3A_139 = tpu.vector_load %arg13[%get3A_137, %get3A_138] {strides = array<i32>} : memref<32x128xf32, #tpu.memory_space<vmem>>, vector<16xf32>,
      %get3A_140 = arith.constant 1 : i32
      %get3A_141 = arith.index_cast %get3A_140 : i32 to index
      %get3A_142 = arith.constant 48 : index
      %get3A_143 = tpu.vector_load %arg14[%get3A_141, %get3A_142] {strides = array<i32>} : memref<32x128xf32, #tpu.memory_space<vmem>>, vector<16xf32>,
      %mul3A_144 = arith.mulf %get3A_139, %get3A_143 : vector<16xf32>
      %add3A_145 = arith.addf %mul3A_135, %mul3A_144 : vector<16xf32>
      %add3A_146 = arith.addf %add3A_126, %add3A_145 : vector<16xf32>
      %eq3A_147 = arith.constant 1 : i32
      %eq3A_148 = vector.broadcast %eq3A_147 : i32 to vector<16xi32>
      %eq3A_149 = arith.cmpi eq, %iota3A, %eq3A_148 : vector<16xi32>
      %reduce_sum3A_150 = arith.constant true
      %reduce_sum3A_151 = vector.broadcast %reduce_sum3A_150 : i1 to vector<16xi1>
      %reduce_sum3A_152 = tpu.scan <sum>, %add3A_146 masked %reduce_sum3A_151 : vector<16xf32>, vector<16xi1> -> vector<16xf32>
      %reduce_sum3A_153 = vector.extract %reduce_sum3A_152[15] : f32 from vector<16xf32>
      %add3A_154 = vector.broadcast %reduce_sum3A_153 : f32 to vector<16xf32>
      %add3A_155 = arith.addf %select_n3A, %add3A_154 : vector<16xf32>
      %select_n3A_156 = arith.select %eq3A_149, %add3A_155, %select_n3A : vector<16xi1>, vector<16xf32>
      %get3A_157 = arith.constant 2 : i32
      %get3A_158 = arith.index_cast %get3A_157 : i32 to index
      %get3A_159 = arith.constant 0 : index
      %get3A_160 = tpu.vector_load %arg13[%get3A_158, %get3A_159] {strides = array<i32>} : memref<32x128xf32, #tpu.memory_space<vmem>>, vector<16xf32>,
      %get3A_161 = arith.constant 2 : i32
      %get3A_162 = arith.index_cast %get3A_161 : i32 to index
      %get3A_163 = arith.constant 0 : index
      %get3A_164 = tpu.vector_load %arg14[%get3A_162, %get3A_163] {strides = array<i32>} : memref<32x128xf32, #tpu.memory_space<vmem>>, vector<16xf32>,
      %mul3A_165 = arith.mulf %get3A_160, %get3A_164 : vector<16xf32>
      %get3A_166 = arith.constant 2 : i32
      %get3A_167 = arith.index_cast %get3A_166 : i32 to index
      %get3A_168 = arith.constant 16 : index
      %get3A_169 = tpu.vector_load %arg13[%get3A_167, %get3A_168] {strides = array<i32>} : memref<32x128xf32, #tpu.memory_space<vmem>>, vector<16xf32>,
      %get3A_170 = arith.constant 2 : i32
      %get3A_171 = arith.index_cast %get3A_170 : i32 to index
      %get3A_172 = arith.constant 16 : index
      %get3A_173 = tpu.vector_load %arg14[%get3A_171, %get3A_172] {strides = array<i32>} : memref<32x128xf32, #tpu.memory_space<vmem>>, vector<16xf32>,
      %mul3A_174 = arith.mulf %get3A_169, %get3A_173 : vector<16xf32>
      %add3A_175 = arith.addf %mul3A_165, %mul3A_174 : vector<16xf32>
      %get3A_176 = arith.constant 2 : i32
      %get3A_177 = arith.index_cast %get3A_176 : i32 to index
      %get3A_178 = arith.constant 32 : index
      %get3A_179 = tpu.vector_load %arg13[%get3A_177, %get3A_178] {strides = array<i32>} : memref<32x128xf32, #tpu.memory_space<vmem>>, vector<16xf32>,
      %get3A_180 = arith.constant 2 : i32
      %get3A_181 = arith.index_cast %get3A_180 : i32 to index
      %get3A_182 = arith.constant 32 : index
      %get3A_183 = tpu.vector_load %arg14[%get3A_181, %get3A_182] {strides = array<i32>} : memref<32x128xf32, #tpu.memory_space<vmem>>, vector<16xf32>,
      %mul3A_184 = arith.mulf %get3A_179, %get3A_183 : vector<16xf32>
      %get3A_185 = arith.constant 2 : i32
      %get3A_186 = arith.index_cast %get3A_185 : i32 to index
      %get3A_187 = arith.constant 48 : index
      %get3A_188 = tpu.vector_load %arg13[%get3A_186, %get3A_187] {strides = array<i32>} : memref<32x128xf32, #tpu.memory_space<vmem>>, vector<16xf32>,
      %get3A_189 = arith.constant 2 : i32
      %get3A_190 = arith.index_cast %get3A_189 : i32 to index
      %get3A_191 = arith.constant 48 : index
      %get3A_192 = tpu.vector_load %arg14[%get3A_190, %get3A_191] {strides = array<i32>} : memref<32x128xf32, #tpu.memory_space<vmem>>, vector<16xf32>,
      %mul3A_193 = arith.mulf %get3A_188, %get3A_192 : vector<16xf32>
      %add3A_194 = arith.addf %mul3A_184, %mul3A_193 : vector<16xf32>
      %add3A_195 = arith.addf %add3A_175, %add3A_194 : vector<16xf32>
      %eq3A_196 = arith.constant 2 : i32
      %eq3A_197 = vector.broadcast %eq3A_196 : i32 to vector<16xi32>
      %eq3A_198 = arith.cmpi eq, %iota3A, %eq3A_197 : vector<16xi32>
      %reduce_sum3A_199 = arith.constant true
      %reduce_sum3A_200 = vector.broadcast %reduce_sum3A_199 : i1 to vector<16xi1>
      %reduce_sum3A_201 = tpu.scan <sum>, %add3A_195 masked %reduce_sum3A_200 : vector<16xf32>, vector<16xi1> -> vector<16xf32>
      %reduce_sum3A_202 = vector.extract %reduce_sum3A_201[15] : f32 from vector<16xf32>
      %add3A_203 = vector.broadcast %reduce_sum3A_202 : f32 to vector<16xf32>
      %add3A_204 = arith.addf %select_n3A_156, %add3A_203 : vector<16xf32>
      %select_n3A_205 = arith.select %eq3A_198, %add3A_204, %select_n3A_156 : vector<16xi1>, vector<16xf32>
      %get3A_206 = arith.constant 3 : i32
      %get3A_207 = arith.index_cast %get3A_206 : i32 to index
      %get3A_208 = arith.constant 0 : index
      %get3A_209 = tpu.vector_load %arg13[%get3A_207, %get3A_208] {strides = array<i32>} : memref<32x128xf32, #tpu.memory_space<vmem>>, vector<16xf32>,
      %get3A_210 = arith.constant 3 : i32
      %get3A_211 = arith.index_cast %get3A_210 : i32 to index
      %get3A_212 = arith.constant 0 : index
      %get3A_213 = tpu.vector_load %arg14[%get3A_211, %get3A_212] {strides = array<i32>} : memref<32x128xf32, #tpu.memory_space<vmem>>, vector<16xf32>,
      %mul3A_214 = arith.mulf %get3A_209, %get3A_213 : vector<16xf32>
      %get3A_215 = arith.constant 3 : i32
      %get3A_216 = arith.index_cast %get3A_215 : i32 to index
      %get3A_217 = arith.constant 16 : index
      %get3A_218 = tpu.vector_load %arg13[%get3A_216, %get3A_217] {strides = array<i32>} : memref<32x128xf32, #tpu.memory_space<vmem>>, vector<16xf32>,
      %get3A_219 = arith.constant 3 : i32
      %get3A_220 = arith.index_cast %get3A_219 : i32 to index
      %get3A_221 = arith.constant 16 : index
      %get3A_222 = tpu.vector_load %arg14[%get3A_220, %get3A_221] {strides = array<i32>} : memref<32x128xf32, #tpu.memory_space<vmem>>, vector<16xf32>,
      %mul3A_223 = arith.mulf %get3A_218, %get3A_222 : vector<16xf32>
      %add3A_224 = arith.addf %mul3A_214, %mul3A_223 : vector<16xf32>
      %get3A_225 = arith.constant 3 : i32
      %get3A_226 = arith.index_cast %get3A_225 : i32 to index
      %get3A_227 = arith.constant 32 : index
      %get3A_228 = tpu.vector_load %arg13[%get3A_226, %get3A_227] {strides = array<i32>} : memref<32x128xf32, #tpu.memory_space<vmem>>, vector<16xf32>,
      %get3A_229 = arith.constant 3 : i32
      %get3A_230 = arith.index_cast %get3A_229 : i32 to index
      %get3A_231 = arith.constant 32 : index
      %get3A_232 = tpu.vector_load %arg14[%get3A_230, %get3A_231] {strides = array<i32>} : memref<32x128xf32, #tpu.memory_space<vmem>>, vector<16xf32>,
      %mul3A_233 = arith.mulf %get3A_228, %get3A_232 : vector<16xf32>
      %get3A_234 = arith.constant 3 : i32
      %get3A_235 = arith.index_cast %get3A_234 : i32 to index
      %get3A_236 = arith.constant 48 : index
      %get3A_237 = tpu.vector_load %arg13[%get3A_235, %get3A_236] {strides = array<i32>} : memref<32x128xf32, #tpu.memory_space<vmem>>, vector<16xf32>,
      %get3A_238 = arith.constant 3 : i32
      %get3A_239 = arith.index_cast %get3A_238 : i32 to index
      %get3A_240 = arith.constant 48 : index
      %get3A_241 = tpu.vector_load %arg14[%get3A_239, %get3A_240] {strides = array<i32>} : memref<32x128xf32, #tpu.memory_space<vmem>>, vector<16xf32>,
      %mul3A_242 = arith.mulf %get3A_237, %get3A_241 : vector<16xf32>
      %add3A_243 = arith.addf %mul3A_233, %mul3A_242 : vector<16xf32>
      %add3A_244 = arith.addf %add3A_224, %add3A_243 : vector<16xf32>
      %eq3A_245 = arith.constant 3 : i32
      %eq3A_246 = vector.broadcast %eq3A_245 : i32 to vector<16xi32>
      %eq3A_247 = arith.cmpi eq, %iota3A, %eq3A_246 : vector<16xi32>
      %reduce_sum3A_248 = arith.constant true
      %reduce_sum3A_249 = vector.broadcast %reduce_sum3A_248 : i1 to vector<16xi1>
      %reduce_sum3A_250 = tpu.scan <sum>, %add3A_244 masked %reduce_sum3A_249 : vector<16xf32>, vector<16xi1> -> vector<16xf32>
      %reduce_sum3A_251 = vector.extract %reduce_sum3A_250[15] : f32 from vector<16xf32>
      %add3A_252 = vector.broadcast %reduce_sum3A_251 : f32 to vector<16xf32>
      %add3A_253 = arith.addf %select_n3A_205, %add3A_252 : vector<16xf32>
      %select_n3A_254 = arith.select %eq3A_247, %add3A_253, %select_n3A_205 : vector<16xi1>, vector<16xf32>
      %get3A_255 = arith.constant 4 : i32
      %get3A_256 = arith.index_cast %get3A_255 : i32 to index
      %get3A_257 = arith.constant 0 : index
      %get3A_258 = tpu.vector_load %arg13[%get3A_256, %get3A_257] {strides = array<i32>} : memref<32x128xf32, #tpu.memory_space<vmem>>, vector<16xf32>,
      %get3A_259 = arith.constant 4 : i32
      %get3A_260 = arith.index_cast %get3A_259 : i32 to index
      %get3A_261 = arith.constant 0 : index
      %get3A_262 = tpu.vector_load %arg14[%get3A_260, %get3A_261] {strides = array<i32>} : memref<32x128xf32, #tpu.memory_space<vmem>>, vector<16xf32>,
      %mul3A_263 = arith.mulf %get3A_258, %get3A_262 : vector<16xf32>
      %get3A_264 = arith.constant 4 : i32
      %get3A_265 = arith.index_cast %get3A_264 : i32 to index
      %get3A_266 = arith.constant 16 : index
      %get3A_267 = tpu.vector_load %arg13[%get3A_265, %get3A_266] {strides = array<i32>} : memref<32x128xf32, #tpu.memory_space<vmem>>, vector<16xf32>,
      %get3A_268 = arith.constant 4 : i32
      %get3A_269 = arith.index_cast %get3A_268 : i32 to index
      %get3A_270 = arith.constant 16 : index
      %get3A_271 = tpu.vector_load %arg14[%get3A_269, %get3A_270] {strides = array<i32>} : memref<32x128xf32, #tpu.memory_space<vmem>>, vector<16xf32>,
      %mul3A_272 = arith.mulf %get3A_267, %get3A_271 : vector<16xf32>
      %add3A_273 = arith.addf %mul3A_263, %mul3A_272 : vector<16xf32>
      %get3A_274 = arith.constant 4 : i32
      %get3A_275 = arith.index_cast %get3A_274 : i32 to index
      %get3A_276 = arith.constant 32 : index
      %get3A_277 = tpu.vector_load %arg13[%get3A_275, %get3A_276] {strides = array<i32>} : memref<32x128xf32, #tpu.memory_space<vmem>>, vector<16xf32>,
      %get3A_278 = arith.constant 4 : i32
      %get3A_279 = arith.index_cast %get3A_278 : i32 to index
      %get3A_280 = arith.constant 32 : index
      %get3A_281 = tpu.vector_load %arg14[%get3A_279, %get3A_280] {strides = array<i32>} : memref<32x128xf32, #tpu.memory_space<vmem>>, vector<16xf32>,
      %mul3A_282 = arith.mulf %get3A_277, %get3A_281 : vector<16xf32>
      %get3A_283 = arith.constant 4 : i32
      %get3A_284 = arith.index_cast %get3A_283 : i32 to index
      %get3A_285 = arith.constant 48 : index
      %get3A_286 = tpu.vector_load %arg13[%get3A_284, %get3A_285] {strides = array<i32>} : memref<32x128xf32, #tpu.memory_space<vmem>>, vector<16xf32>,
      %get3A_287 = arith.constant 4 : i32
      %get3A_288 = arith.index_cast %get3A_287 : i32 to index
      %get3A_289 = arith.constant 48 : index
      %get3A_290 = tpu.vector_load %arg14[%get3A_288, %get3A_289] {strides = array<i32>} : memref<32x128xf32, #tpu.memory_space<vmem>>, vector<16xf32>,
      %mul3A_291 = arith.mulf %get3A_286, %get3A_290 : vector<16xf32>
      %add3A_292 = arith.addf %mul3A_282, %mul3A_291 : vector<16xf32>
      %add3A_293 = arith.addf %add3A_273, %add3A_292 : vector<16xf32>
      %eq3A_294 = arith.constant 4 : i32
      %eq3A_295 = vector.broadcast %eq3A_294 : i32 to vector<16xi32>
      %eq3A_296 = arith.cmpi eq, %iota3A, %eq3A_295 : vector<16xi32>
      %reduce_sum3A_297 = arith.constant true
      %reduce_sum3A_298 = vector.broadcast %reduce_sum3A_297 : i1 to vector<16xi1>
      %reduce_sum3A_299 = tpu.scan <sum>, %add3A_293 masked %reduce_sum3A_298 : vector<16xf32>, vector<16xi1> -> vector<16xf32>
      %reduce_sum3A_300 = vector.extract %reduce_sum3A_299[15] : f32 from vector<16xf32>
      %add3A_301 = vector.broadcast %reduce_sum3A_300 : f32 to vector<16xf32>
      %add3A_302 = arith.addf %select_n3A_254, %add3A_301 : vector<16xf32>
      %select_n3A_303 = arith.select %eq3A_296, %add3A_302, %select_n3A_254 : vector<16xi1>, vector<16xf32>
      %get3A_304 = arith.constant 5 : i32
      %get3A_305 = arith.index_cast %get3A_304 : i32 to index
      %get3A_306 = arith.constant 0 : index
      %get3A_307 = tpu.vector_load %arg13[%get3A_305, %get3A_306] {strides = array<i32>} : memref<32x128xf32, #tpu.memory_space<vmem>>, vector<16xf32>,
      %get3A_308 = arith.constant 5 : i32
      %get3A_309 = arith.index_cast %get3A_308 : i32 to index
      %get3A_310 = arith.constant 0 : index
      %get3A_311 = tpu.vector_load %arg14[%get3A_309, %get3A_310] {strides = array<i32>} : memref<32x128xf32, #tpu.memory_space<vmem>>, vector<16xf32>,
      %mul3A_312 = arith.mulf %get3A_307, %get3A_311 : vector<16xf32>
      %get3A_313 = arith.constant 5 : i32
      %get3A_314 = arith.index_cast %get3A_313 : i32 to index
      %get3A_315 = arith.constant 16 : index
      %get3A_316 = tpu.vector_load %arg13[%get3A_314, %get3A_315] {strides = array<i32>} : memref<32x128xf32, #tpu.memory_space<vmem>>, vector<16xf32>,
      %get3A_317 = arith.constant 5 : i32
      %get3A_318 = arith.index_cast %get3A_317 : i32 to index
      %get3A_319 = arith.constant 16 : index
      %get3A_320 = tpu.vector_load %arg14[%get3A_318, %get3A_319] {strides = array<i32>} : memref<32x128xf32, #tpu.memory_space<vmem>>, vector<16xf32>,
      %mul3A_321 = arith.mulf %get3A_316, %get3A_320 : vector<16xf32>
      %add3A_322 = arith.addf %mul3A_312, %mul3A_321 : vector<16xf32>
      %get3A_323 = arith.constant 5 : i32
      %get3A_324 = arith.index_cast %get3A_323 : i32 to index
      %get3A_325 = arith.constant 32 : index
      %get3A_326 = tpu.vector_load %arg13[%get3A_324, %get3A_325] {strides = array<i32>} : memref<32x128xf32, #tpu.memory_space<vmem>>, vector<16xf32>,
      %get3A_327 = arith.constant 5 : i32
      %get3A_328 = arith.index_cast %get3A_327 : i32 to index
      %get3A_329 = arith.constant 32 : index
      %get3A_330 = tpu.vector_load %arg14[%get3A_328, %get3A_329] {strides = array<i32>} : memref<32x128xf32, #tpu.memory_space<vmem>>, vector<16xf32>,
      %mul3A_331 = arith.mulf %get3A_326, %get3A_330 : vector<16xf32>
      %get3A_332 = arith.constant 5 : i32
      %get3A_333 = arith.index_cast %get3A_332 : i32 to index
      %get3A_334 = arith.constant 48 : index
      %get3A_335 = tpu.vector_load %arg13[%get3A_333, %get3A_334] {strides = array<i32>} : memref<32x128xf32, #tpu.memory_space<vmem>>, vector<16xf32>,
      %get3A_336 = arith.constant 5 : i32
      %get3A_337 = arith.index_cast %get3A_336 : i32 to index
      %get3A_338 = arith.constant 48 : index
      %get3A_339 = tpu.vector_load %arg14[%get3A_337, %get3A_338] {strides = array<i32>} : memref<32x128xf32, #tpu.memory_space<vmem>>, vector<16xf32>,
      %mul3A_340 = arith.mulf %get3A_335, %get3A_339 : vector<16xf32>
      %add3A_341 = arith.addf %mul3A_331, %mul3A_340 : vector<16xf32>
      %add3A_342 = arith.addf %add3A_322, %add3A_341 : vector<16xf32>
      %eq3A_343 = arith.constant 5 : i32
      %eq3A_344 = vector.broadcast %eq3A_343 : i32 to vector<16xi32>
      %eq3A_345 = arith.cmpi eq, %iota3A, %eq3A_344 : vector<16xi32>
      %reduce_sum3A_346 = arith.constant true
      %reduce_sum3A_347 = vector.broadcast %reduce_sum3A_346 : i1 to vector<16xi1>
      %reduce_sum3A_348 = tpu.scan <sum>, %add3A_342 masked %reduce_sum3A_347 : vector<16xf32>, vector<16xi1> -> vector<16xf32>
      %reduce_sum3A_349 = vector.extract %reduce_sum3A_348[15] : f32 from vector<16xf32>
      %add3A_350 = vector.broadcast %reduce_sum3A_349 : f32 to vector<16xf32>
      %add3A_351 = arith.addf %select_n3A_303, %add3A_350 : vector<16xf32>
      %select_n3A_352 = arith.select %eq3A_345, %add3A_351, %select_n3A_303 : vector<16xi1>, vector<16xf32>
      %get3A_353 = arith.constant 6 : i32
      %get3A_354 = arith.index_cast %get3A_353 : i32 to index
      %get3A_355 = arith.constant 0 : index
      %get3A_356 = tpu.vector_load %arg13[%get3A_354, %get3A_355] {strides = array<i32>} : memref<32x128xf32, #tpu.memory_space<vmem>>, vector<16xf32>,
      %get3A_357 = arith.constant 6 : i32
      %get3A_358 = arith.index_cast %get3A_357 : i32 to index
      %get3A_359 = arith.constant 0 : index
      %get3A_360 = tpu.vector_load %arg14[%get3A_358, %get3A_359] {strides = array<i32>} : memref<32x128xf32, #tpu.memory_space<vmem>>, vector<16xf32>,
      %mul3A_361 = arith.mulf %get3A_356, %get3A_360 : vector<16xf32>
      %get3A_362 = arith.constant 6 : i32
      %get3A_363 = arith.index_cast %get3A_362 : i32 to index
      %get3A_364 = arith.constant 16 : index
      %get3A_365 = tpu.vector_load %arg13[%get3A_363, %get3A_364] {strides = array<i32>} : memref<32x128xf32, #tpu.memory_space<vmem>>, vector<16xf32>,
      %get3A_366 = arith.constant 6 : i32
      %get3A_367 = arith.index_cast %get3A_366 : i32 to index
      %get3A_368 = arith.constant 16 : index
      %get3A_369 = tpu.vector_load %arg14[%get3A_367, %get3A_368] {strides = array<i32>} : memref<32x128xf32, #tpu.memory_space<vmem>>, vector<16xf32>,
      %mul3A_370 = arith.mulf %get3A_365, %get3A_369 : vector<16xf32>
      %add3A_371 = arith.addf %mul3A_361, %mul3A_370 : vector<16xf32>
      %get3A_372 = arith.constant 6 : i32
      %get3A_373 = arith.index_cast %get3A_372 : i32 to index
      %get3A_374 = arith.constant 32 : index
      %get3A_375 = tpu.vector_load %arg13[%get3A_373, %get3A_374] {strides = array<i32>} : memref<32x128xf32, #tpu.memory_space<vmem>>, vector<16xf32>,
      %get3A_376 = arith.constant 6 : i32
      %get3A_377 = arith.index_cast %get3A_376 : i32 to index
      %get3A_378 = arith.constant 32 : index
      %get3A_379 = tpu.vector_load %arg14[%get3A_377, %get3A_378] {strides = array<i32>} : memref<32x128xf32, #tpu.memory_space<vmem>>, vector<16xf32>,
      %mul3A_380 = arith.mulf %get3A_375, %get3A_379 : vector<16xf32>
      %get3A_381 = arith.constant 6 : i32
      %get3A_382 = arith.index_cast %get3A_381 : i32 to index
      %get3A_383 = arith.constant 48 : index
      %get3A_384 = tpu.vector_load %arg13[%get3A_382, %get3A_383] {strides = array<i32>} : memref<32x128xf32, #tpu.memory_space<vmem>>, vector<16xf32>,
      %get3A_385 = arith.constant 6 : i32
      %get3A_386 = arith.index_cast %get3A_385 : i32 to index
      %get3A_387 = arith.constant 48 : index
      %get3A_388 = tpu.vector_load %arg14[%get3A_386, %get3A_387] {strides = array<i32>} : memref<32x128xf32, #tpu.memory_space<vmem>>, vector<16xf32>,
      %mul3A_389 = arith.mulf %get3A_384, %get3A_388 : vector<16xf32>
      %add3A_390 = arith.addf %mul3A_380, %mul3A_389 : vector<16xf32>
      %add3A_391 = arith.addf %add3A_371, %add3A_390 : vector<16xf32>
      %eq3A_392 = arith.constant 6 : i32
      %eq3A_393 = vector.broadcast %eq3A_392 : i32 to vector<16xi32>
      %eq3A_394 = arith.cmpi eq, %iota3A, %eq3A_393 : vector<16xi32>
      %reduce_sum3A_395 = arith.constant true
      %reduce_sum3A_396 = vector.broadcast %reduce_sum3A_395 : i1 to vector<16xi1>
      %reduce_sum3A_397 = tpu.scan <sum>, %add3A_391 masked %reduce_sum3A_396 : vector<16xf32>, vector<16xi1> -> vector<16xf32>
      %reduce_sum3A_398 = vector.extract %reduce_sum3A_397[15] : f32 from vector<16xf32>
      %add3A_399 = vector.broadcast %reduce_sum3A_398 : f32 to vector<16xf32>
      %add3A_400 = arith.addf %select_n3A_352, %add3A_399 : vector<16xf32>
      %select_n3A_401 = arith.select %eq3A_394, %add3A_400, %select_n3A_352 : vector<16xi1>, vector<16xf32>
      %get3A_402 = arith.constant 7 : i32
      %get3A_403 = arith.index_cast %get3A_402 : i32 to index
      %get3A_404 = arith.constant 0 : index
      %get3A_405 = tpu.vector_load %arg13[%get3A_403, %get3A_404] {strides = array<i32>} : memref<32x128xf32, #tpu.memory_space<vmem>>, vector<16xf32>,
      %get3A_406 = arith.constant 7 : i32
      %get3A_407 = arith.index_cast %get3A_406 : i32 to index
      %get3A_408 = arith.constant 0 : index
      %get3A_409 = tpu.vector_load %arg14[%get3A_407, %get3A_408] {strides = array<i32>} : memref<32x128xf32, #tpu.memory_space<vmem>>, vector<16xf32>,
      %mul3A_410 = arith.mulf %get3A_405, %get3A_409 : vector<16xf32>
      %get3A_411 = arith.constant 7 : i32
      %get3A_412 = arith.index_cast %get3A_411 : i32 to index
      %get3A_413 = arith.constant 16 : index
      %get3A_414 = tpu.vector_load %arg13[%get3A_412, %get3A_413] {strides = array<i32>} : memref<32x128xf32, #tpu.memory_space<vmem>>, vector<16xf32>,
      %get3A_415 = arith.constant 7 : i32
      %get3A_416 = arith.index_cast %get3A_415 : i32 to index
      %get3A_417 = arith.constant 16 : index
      %get3A_418 = tpu.vector_load %arg14[%get3A_416, %get3A_417] {strides = array<i32>} : memref<32x128xf32, #tpu.memory_space<vmem>>, vector<16xf32>,
      %mul3A_419 = arith.mulf %get3A_414, %get3A_418 : vector<16xf32>
      %add3A_420 = arith.addf %mul3A_410, %mul3A_419 : vector<16xf32>
      %get3A_421 = arith.constant 7 : i32
      %get3A_422 = arith.index_cast %get3A_421 : i32 to index
      %get3A_423 = arith.constant 32 : index
      %get3A_424 = tpu.vector_load %arg13[%get3A_422, %get3A_423] {strides = array<i32>} : memref<32x128xf32, #tpu.memory_space<vmem>>, vector<16xf32>,
      %get3A_425 = arith.constant 7 : i32
      %get3A_426 = arith.index_cast %get3A_425 : i32 to index
      %get3A_427 = arith.constant 32 : index
      %get3A_428 = tpu.vector_load %arg14[%get3A_426, %get3A_427] {strides = array<i32>} : memref<32x128xf32, #tpu.memory_space<vmem>>, vector<16xf32>,
      %mul3A_429 = arith.mulf %get3A_424, %get3A_428 : vector<16xf32>
      %get3A_430 = arith.constant 7 : i32
      %get3A_431 = arith.index_cast %get3A_430 : i32 to index
      %get3A_432 = arith.constant 48 : index
      %get3A_433 = tpu.vector_load %arg13[%get3A_431, %get3A_432] {strides = array<i32>} : memref<32x128xf32, #tpu.memory_space<vmem>>, vector<16xf32>,
      %get3A_434 = arith.constant 7 : i32
      %get3A_435 = arith.index_cast %get3A_434 : i32 to index
      %get3A_436 = arith.constant 48 : index
      %get3A_437 = tpu.vector_load %arg14[%get3A_435, %get3A_436] {strides = array<i32>} : memref<32x128xf32, #tpu.memory_space<vmem>>, vector<16xf32>,
      %mul3A_438 = arith.mulf %get3A_433, %get3A_437 : vector<16xf32>
      %add3A_439 = arith.addf %mul3A_429, %mul3A_438 : vector<16xf32>
      %add3A_440 = arith.addf %add3A_420, %add3A_439 : vector<16xf32>
      %eq3A_441 = arith.constant 7 : i32
      %eq3A_442 = vector.broadcast %eq3A_441 : i32 to vector<16xi32>
      %eq3A_443 = arith.cmpi eq, %iota3A, %eq3A_442 : vector<16xi32>
      %reduce_sum3A_444 = arith.constant true
      %reduce_sum3A_445 = vector.broadcast %reduce_sum3A_444 : i1 to vector<16xi1>
      %reduce_sum3A_446 = tpu.scan <sum>, %add3A_440 masked %reduce_sum3A_445 : vector<16xf32>, vector<16xi1> -> vector<16xf32>
      %reduce_sum3A_447 = vector.extract %reduce_sum3A_446[15] : f32 from vector<16xf32>
      %add3A_448 = vector.broadcast %reduce_sum3A_447 : f32 to vector<16xf32>
      %add3A_449 = arith.addf %select_n3A_401, %add3A_448 : vector<16xf32>
      %select_n3A_450 = arith.select %eq3A_443, %add3A_449, %select_n3A_401 : vector<16xi1>, vector<16xf32>
      %get3A_451 = arith.constant 8 : i32
      %get3A_452 = arith.index_cast %get3A_451 : i32 to index
      %get3A_453 = arith.constant 0 : index
      %get3A_454 = tpu.vector_load %arg13[%get3A_452, %get3A_453] {strides = array<i32>} : memref<32x128xf32, #tpu.memory_space<vmem>>, vector<16xf32>,
      %get3A_455 = arith.constant 8 : i32
      %get3A_456 = arith.index_cast %get3A_455 : i32 to index
      %get3A_457 = arith.constant 0 : index
      %get3A_458 = tpu.vector_load %arg14[%get3A_456, %get3A_457] {strides = array<i32>} : memref<32x128xf32, #tpu.memory_space<vmem>>, vector<16xf32>,
      %mul3A_459 = arith.mulf %get3A_454, %get3A_458 : vector<16xf32>
      %get3A_460 = arith.constant 8 : i32
      %get3A_461 = arith.index_cast %get3A_460 : i32 to index
      %get3A_462 = arith.constant 16 : index
      %get3A_463 = tpu.vector_load %arg13[%get3A_461, %get3A_462] {strides = array<i32>} : memref<32x128xf32, #tpu.memory_space<vmem>>, vector<16xf32>,
      %get3A_464 = arith.constant 8 : i32
      %get3A_465 = arith.index_cast %get3A_464 : i32 to index
      %get3A_466 = arith.constant 16 : index
      %get3A_467 = tpu.vector_load %arg14[%get3A_465, %get3A_466] {strides = array<i32>} : memref<32x128xf32, #tpu.memory_space<vmem>>, vector<16xf32>,
      %mul3A_468 = arith.mulf %get3A_463, %get3A_467 : vector<16xf32>
      %add3A_469 = arith.addf %mul3A_459, %mul3A_468 : vector<16xf32>
      %get3A_470 = arith.constant 8 : i32
      %get3A_471 = arith.index_cast %get3A_470 : i32 to index
      %get3A_472 = arith.constant 32 : index
      %get3A_473 = tpu.vector_load %arg13[%get3A_471, %get3A_472] {strides = array<i32>} : memref<32x128xf32, #tpu.memory_space<vmem>>, vector<16xf32>,
      %get3A_474 = arith.constant 8 : i32
      %get3A_475 = arith.index_cast %get3A_474 : i32 to index
      %get3A_476 = arith.constant 32 : index
      %get3A_477 = tpu.vector_load %arg14[%get3A_475, %get3A_476] {strides = array<i32>} : memref<32x128xf32, #tpu.memory_space<vmem>>, vector<16xf32>,
      %mul3A_478 = arith.mulf %get3A_473, %get3A_477 : vector<16xf32>
      %get3A_479 = arith.constant 8 : i32
      %get3A_480 = arith.index_cast %get3A_479 : i32 to index
      %get3A_481 = arith.constant 48 : index
      %get3A_482 = tpu.vector_load %arg13[%get3A_480, %get3A_481] {strides = array<i32>} : memref<32x128xf32, #tpu.memory_space<vmem>>, vector<16xf32>,
      %get3A_483 = arith.constant 8 : i32
      %get3A_484 = arith.index_cast %get3A_483 : i32 to index
      %get3A_485 = arith.constant 48 : index
      %get3A_486 = tpu.vector_load %arg14[%get3A_484, %get3A_485] {strides = array<i32>} : memref<32x128xf32, #tpu.memory_space<vmem>>, vector<16xf32>,
      %mul3A_487 = arith.mulf %get3A_482, %get3A_486 : vector<16xf32>
      %add3A_488 = arith.addf %mul3A_478, %mul3A_487 : vector<16xf32>
      %add3A_489 = arith.addf %add3A_469, %add3A_488 : vector<16xf32>
      %eq3A_490 = arith.constant 8 : i32
      %eq3A_491 = vector.broadcast %eq3A_490 : i32 to vector<16xi32>
      %eq3A_492 = arith.cmpi eq, %iota3A, %eq3A_491 : vector<16xi32>
      %reduce_sum3A_493 = arith.constant true
      %reduce_sum3A_494 = vector.broadcast %reduce_sum3A_493 : i1 to vector<16xi1>
      %reduce_sum3A_495 = tpu.scan <sum>, %add3A_489 masked %reduce_sum3A_494 : vector<16xf32>, vector<16xi1> -> vector<16xf32>
      %reduce_sum3A_496 = vector.extract %reduce_sum3A_495[15] : f32 from vector<16xf32>
      %add3A_497 = vector.broadcast %reduce_sum3A_496 : f32 to vector<16xf32>
      %add3A_498 = arith.addf %select_n3A_450, %add3A_497 : vector<16xf32>
      %select_n3A_499 = arith.select %eq3A_492, %add3A_498, %select_n3A_450 : vector<16xi1>, vector<16xf32>
      %get3A_500 = arith.constant 9 : i32
      %get3A_501 = arith.index_cast %get3A_500 : i32 to index
      %get3A_502 = arith.constant 0 : index
      %get3A_503 = tpu.vector_load %arg13[%get3A_501, %get3A_502] {strides = array<i32>} : memref<32x128xf32, #tpu.memory_space<vmem>>, vector<16xf32>,
      %get3A_504 = arith.constant 9 : i32
      %get3A_505 = arith.index_cast %get3A_504 : i32 to index
      %get3A_506 = arith.constant 0 : index
      %get3A_507 = tpu.vector_load %arg14[%get3A_505, %get3A_506] {strides = array<i32>} : memref<32x128xf32, #tpu.memory_space<vmem>>, vector<16xf32>,
      %mul3A_508 = arith.mulf %get3A_503, %get3A_507 : vector<16xf32>
      %get3A_509 = arith.constant 9 : i32
      %get3A_510 = arith.index_cast %get3A_509 : i32 to index
      %get3A_511 = arith.constant 16 : index
      %get3A_512 = tpu.vector_load %arg13[%get3A_510, %get3A_511] {strides = array<i32>} : memref<32x128xf32, #tpu.memory_space<vmem>>, vector<16xf32>,
      %get3A_513 = arith.constant 9 : i32
      %get3A_514 = arith.index_cast %get3A_513 : i32 to index
      %get3A_515 = arith.constant 16 : index
      %get3A_516 = tpu.vector_load %arg14[%get3A_514, %get3A_515] {strides = array<i32>} : memref<32x128xf32, #tpu.memory_space<vmem>>, vector<16xf32>,
      %mul3A_517 = arith.mulf %get3A_512, %get3A_516 : vector<16xf32>
      %add3A_518 = arith.addf %mul3A_508, %mul3A_517 : vector<16xf32>
      %get3A_519 = arith.constant 9 : i32
      %get3A_520 = arith.index_cast %get3A_519 : i32 to index
      %get3A_521 = arith.constant 32 : index
      %get3A_522 = tpu.vector_load %arg13[%get3A_520, %get3A_521] {strides = array<i32>} : memref<32x128xf32, #tpu.memory_space<vmem>>, vector<16xf32>,
      %get3A_523 = arith.constant 9 : i32
      %get3A_524 = arith.index_cast %get3A_523 : i32 to index
      %get3A_525 = arith.constant 32 : index
      %get3A_526 = tpu.vector_load %arg14[%get3A_524, %get3A_525] {strides = array<i32>} : memref<32x128xf32, #tpu.memory_space<vmem>>, vector<16xf32>,
      %mul3A_527 = arith.mulf %get3A_522, %get3A_526 : vector<16xf32>
      %get3A_528 = arith.constant 9 : i32
      %get3A_529 = arith.index_cast %get3A_528 : i32 to index
      %get3A_530 = arith.constant 48 : index
      %get3A_531 = tpu.vector_load %arg13[%get3A_529, %get3A_530] {strides = array<i32>} : memref<32x128xf32, #tpu.memory_space<vmem>>, vector<16xf32>,
      %get3A_532 = arith.constant 9 : i32
      %get3A_533 = arith.index_cast %get3A_532 : i32 to index
      %get3A_534 = arith.constant 48 : index
      %get3A_535 = tpu.vector_load %arg14[%get3A_533, %get3A_534] {strides = array<i32>} : memref<32x128xf32, #tpu.memory_space<vmem>>, vector<16xf32>,
      %mul3A_536 = arith.mulf %get3A_531, %get3A_535 : vector<16xf32>
      %add3A_537 = arith.addf %mul3A_527, %mul3A_536 : vector<16xf32>
      %add3A_538 = arith.addf %add3A_518, %add3A_537 : vector<16xf32>
      %eq3A_539 = arith.constant 9 : i32
      %eq3A_540 = vector.broadcast %eq3A_539 : i32 to vector<16xi32>
      %eq3A_541 = arith.cmpi eq, %iota3A, %eq3A_540 : vector<16xi32>
      %reduce_sum3A_542 = arith.constant true
      %reduce_sum3A_543 = vector.broadcast %reduce_sum3A_542 : i1 to vector<16xi1>
      %reduce_sum3A_544 = tpu.scan <sum>, %add3A_538 masked %reduce_sum3A_543 : vector<16xf32>, vector<16xi1> -> vector<16xf32>
      %reduce_sum3A_545 = vector.extract %reduce_sum3A_544[15] : f32 from vector<16xf32>
      %add3A_546 = vector.broadcast %reduce_sum3A_545 : f32 to vector<16xf32>
      %add3A_547 = arith.addf %select_n3A_499, %add3A_546 : vector<16xf32>
      %select_n3A_548 = arith.select %eq3A_541, %add3A_547, %select_n3A_499 : vector<16xi1>, vector<16xf32>
      %get3A_549 = arith.constant 10 : i32
      %get3A_550 = arith.index_cast %get3A_549 : i32 to index
      %get3A_551 = arith.constant 0 : index
      %get3A_552 = tpu.vector_load %arg13[%get3A_550, %get3A_551] {strides = array<i32>} : memref<32x128xf32, #tpu.memory_space<vmem>>, vector<16xf32>,
      %get3A_553 = arith.constant 10 : i32
      %get3A_554 = arith.index_cast %get3A_553 : i32 to index
      %get3A_555 = arith.constant 0 : index
      %get3A_556 = tpu.vector_load %arg14[%get3A_554, %get3A_555] {strides = array<i32>} : memref<32x128xf32, #tpu.memory_space<vmem>>, vector<16xf32>,
      %mul3A_557 = arith.mulf %get3A_552, %get3A_556 : vector<16xf32>
      %get3A_558 = arith.constant 10 : i32
      %get3A_559 = arith.index_cast %get3A_558 : i32 to index
      %get3A_560 = arith.constant 16 : index
      %get3A_561 = tpu.vector_load %arg13[%get3A_559, %get3A_560] {strides = array<i32>} : memref<32x128xf32, #tpu.memory_space<vmem>>, vector<16xf32>,
      %get3A_562 = arith.constant 10 : i32
      %get3A_563 = arith.index_cast %get3A_562 : i32 to index
      %get3A_564 = arith.constant 16 : index
      %get3A_565 = tpu.vector_load %arg14[%get3A_563, %get3A_564] {strides = array<i32>} : memref<32x128xf32, #tpu.memory_space<vmem>>, vector<16xf32>,
      %mul3A_566 = arith.mulf %get3A_561, %get3A_565 : vector<16xf32>
      %add3A_567 = arith.addf %mul3A_557, %mul3A_566 : vector<16xf32>
      %get3A_568 = arith.constant 10 : i32
      %get3A_569 = arith.index_cast %get3A_568 : i32 to index
      %get3A_570 = arith.constant 32 : index
      %get3A_571 = tpu.vector_load %arg13[%get3A_569, %get3A_570] {strides = array<i32>} : memref<32x128xf32, #tpu.memory_space<vmem>>, vector<16xf32>,
      %get3A_572 = arith.constant 10 : i32
      %get3A_573 = arith.index_cast %get3A_572 : i32 to index
      %get3A_574 = arith.constant 32 : index
      %get3A_575 = tpu.vector_load %arg14[%get3A_573, %get3A_574] {strides = array<i32>} : memref<32x128xf32, #tpu.memory_space<vmem>>, vector<16xf32>,
      %mul3A_576 = arith.mulf %get3A_571, %get3A_575 : vector<16xf32>
      %get3A_577 = arith.constant 10 : i32
      %get3A_578 = arith.index_cast %get3A_577 : i32 to index
      %get3A_579 = arith.constant 48 : index
      %get3A_580 = tpu.vector_load %arg13[%get3A_578, %get3A_579] {strides = array<i32>} : memref<32x128xf32, #tpu.memory_space<vmem>>, vector<16xf32>,
      %get3A_581 = arith.constant 10 : i32
      %get3A_582 = arith.index_cast %get3A_581 : i32 to index
      %get3A_583 = arith.constant 48 : index
      %get3A_584 = tpu.vector_load %arg14[%get3A_582, %get3A_583] {strides = array<i32>} : memref<32x128xf32, #tpu.memory_space<vmem>>, vector<16xf32>,
      %mul3A_585 = arith.mulf %get3A_580, %get3A_584 : vector<16xf32>
      %add3A_586 = arith.addf %mul3A_576, %mul3A_585 : vector<16xf32>
      %add3A_587 = arith.addf %add3A_567, %add3A_586 : vector<16xf32>
      %eq3A_588 = arith.constant 10 : i32
      %eq3A_589 = vector.broadcast %eq3A_588 : i32 to vector<16xi32>
      %eq3A_590 = arith.cmpi eq, %iota3A, %eq3A_589 : vector<16xi32>
      %reduce_sum3A_591 = arith.constant true
      %reduce_sum3A_592 = vector.broadcast %reduce_sum3A_591 : i1 to vector<16xi1>
      %reduce_sum3A_593 = tpu.scan <sum>, %add3A_587 masked %reduce_sum3A_592 : vector<16xf32>, vector<16xi1> -> vector<16xf32>
      %reduce_sum3A_594 = vector.extract %reduce_sum3A_593[15] : f32 from vector<16xf32>
      %add3A_595 = vector.broadcast %reduce_sum3A_594 : f32 to vector<16xf32>
      %add3A_596 = arith.addf %select_n3A_548, %add3A_595 : vector<16xf32>
      %select_n3A_597 = arith.select %eq3A_590, %add3A_596, %select_n3A_548 : vector<16xi1>, vector<16xf32>
      %get3A_598 = arith.constant 11 : i32
      %get3A_599 = arith.index_cast %get3A_598 : i32 to index
      %get3A_600 = arith.constant 0 : index
      %get3A_601 = tpu.vector_load %arg13[%get3A_599, %get3A_600] {strides = array<i32>} : memref<32x128xf32, #tpu.memory_space<vmem>>, vector<16xf32>,
      %get3A_602 = arith.constant 11 : i32
      %get3A_603 = arith.index_cast %get3A_602 : i32 to index
      %get3A_604 = arith.constant 0 : index
      %get3A_605 = tpu.vector_load %arg14[%get3A_603, %get3A_604] {strides = array<i32>} : memref<32x128xf32, #tpu.memory_space<vmem>>, vector<16xf32>,
      %mul3A_606 = arith.mulf %get3A_601, %get3A_605 : vector<16xf32>
      %get3A_607 = arith.constant 11 : i32
      %get3A_608 = arith.index_cast %get3A_607 : i32 to index
      %get3A_609 = arith.constant 16 : index
      %get3A_610 = tpu.vector_load %arg13[%get3A_608, %get3A_609] {strides = array<i32>} : memref<32x128xf32, #tpu.memory_space<vmem>>, vector<16xf32>,
      %get3A_611 = arith.constant 11 : i32
      %get3A_612 = arith.index_cast %get3A_611 : i32 to index
      %get3A_613 = arith.constant 16 : index
      %get3A_614 = tpu.vector_load %arg14[%get3A_612, %get3A_613] {strides = array<i32>} : memref<32x128xf32, #tpu.memory_space<vmem>>, vector<16xf32>,
      %mul3A_615 = arith.mulf %get3A_610, %get3A_614 : vector<16xf32>
      %add3A_616 = arith.addf %mul3A_606, %mul3A_615 : vector<16xf32>
      %get3A_617 = arith.constant 11 : i32
      %get3A_618 = arith.index_cast %get3A_617 : i32 to index
      %get3A_619 = arith.constant 32 : index
      %get3A_620 = tpu.vector_load %arg13[%get3A_618, %get3A_619] {strides = array<i32>} : memref<32x128xf32, #tpu.memory_space<vmem>>, vector<16xf32>,
      %get3A_621 = arith.constant 11 : i32
      %get3A_622 = arith.index_cast %get3A_621 : i32 to index
      %get3A_623 = arith.constant 32 : index
      %get3A_624 = tpu.vector_load %arg14[%get3A_622, %get3A_623] {strides = array<i32>} : memref<32x128xf32, #tpu.memory_space<vmem>>, vector<16xf32>,
      %mul3A_625 = arith.mulf %get3A_620, %get3A_624 : vector<16xf32>
      %get3A_626 = arith.constant 11 : i32
      %get3A_627 = arith.index_cast %get3A_626 : i32 to index
      %get3A_628 = arith.constant 48 : index
      %get3A_629 = tpu.vector_load %arg13[%get3A_627, %get3A_628] {strides = array<i32>} : memref<32x128xf32, #tpu.memory_space<vmem>>, vector<16xf32>,
      %get3A_630 = arith.constant 11 : i32
      %get3A_631 = arith.index_cast %get3A_630 : i32 to index
      %get3A_632 = arith.constant 48 : index
      %get3A_633 = tpu.vector_load %arg14[%get3A_631, %get3A_632] {strides = array<i32>} : memref<32x128xf32, #tpu.memory_space<vmem>>, vector<16xf32>,
      %mul3A_634 = arith.mulf %get3A_629, %get3A_633 : vector<16xf32>
      %add3A_635 = arith.addf %mul3A_625, %mul3A_634 : vector<16xf32>
      %add3A_636 = arith.addf %add3A_616, %add3A_635 : vector<16xf32>
      %eq3A_637 = arith.constant 11 : i32
      %eq3A_638 = vector.broadcast %eq3A_637 : i32 to vector<16xi32>
      %eq3A_639 = arith.cmpi eq, %iota3A, %eq3A_638 : vector<16xi32>
      %reduce_sum3A_640 = arith.constant true
      %reduce_sum3A_641 = vector.broadcast %reduce_sum3A_640 : i1 to vector<16xi1>
      %reduce_sum3A_642 = tpu.scan <sum>, %add3A_636 masked %reduce_sum3A_641 : vector<16xf32>, vector<16xi1> -> vector<16xf32>
      %reduce_sum3A_643 = vector.extract %reduce_sum3A_642[15] : f32 from vector<16xf32>
      %add3A_644 = vector.broadcast %reduce_sum3A_643 : f32 to vector<16xf32>
      %add3A_645 = arith.addf %select_n3A_597, %add3A_644 : vector<16xf32>
      %select_n3A_646 = arith.select %eq3A_639, %add3A_645, %select_n3A_597 : vector<16xi1>, vector<16xf32>
      %get3A_647 = arith.constant 12 : i32
      %get3A_648 = arith.index_cast %get3A_647 : i32 to index
      %get3A_649 = arith.constant 0 : index
      %get3A_650 = tpu.vector_load %arg13[%get3A_648, %get3A_649] {strides = array<i32>} : memref<32x128xf32, #tpu.memory_space<vmem>>, vector<16xf32>,
      %get3A_651 = arith.constant 12 : i32
      %get3A_652 = arith.index_cast %get3A_651 : i32 to index
      %get3A_653 = arith.constant 0 : index
      %get3A_654 = tpu.vector_load %arg14[%get3A_652, %get3A_653] {strides = array<i32>} : memref<32x128xf32, #tpu.memory_space<vmem>>, vector<16xf32>,
      %mul3A_655 = arith.mulf %get3A_650, %get3A_654 : vector<16xf32>
      %get3A_656 = arith.constant 12 : i32
      %get3A_657 = arith.index_cast %get3A_656 : i32 to index
      %get3A_658 = arith.constant 16 : index
      %get3A_659 = tpu.vector_load %arg13[%get3A_657, %get3A_658] {strides = array<i32>} : memref<32x128xf32, #tpu.memory_space<vmem>>, vector<16xf32>,
      %get3A_660 = arith.constant 12 : i32
      %get3A_661 = arith.index_cast %get3A_660 : i32 to index
      %get3A_662 = arith.constant 16 : index
      %get3A_663 = tpu.vector_load %arg14[%get3A_661, %get3A_662] {strides = array<i32>} : memref<32x128xf32, #tpu.memory_space<vmem>>, vector<16xf32>,
      %mul3A_664 = arith.mulf %get3A_659, %get3A_663 : vector<16xf32>
      %add3A_665 = arith.addf %mul3A_655, %mul3A_664 : vector<16xf32>
      %get3A_666 = arith.constant 12 : i32
      %get3A_667 = arith.index_cast %get3A_666 : i32 to index
      %get3A_668 = arith.constant 32 : index
      %get3A_669 = tpu.vector_load %arg13[%get3A_667, %get3A_668] {strides = array<i32>} : memref<32x128xf32, #tpu.memory_space<vmem>>, vector<16xf32>,
      %get3A_670 = arith.constant 12 : i32
      %get3A_671 = arith.index_cast %get3A_670 : i32 to index
      %get3A_672 = arith.constant 32 : index
      %get3A_673 = tpu.vector_load %arg14[%get3A_671, %get3A_672] {strides = array<i32>} : memref<32x128xf32, #tpu.memory_space<vmem>>, vector<16xf32>,
      %mul3A_674 = arith.mulf %get3A_669, %get3A_673 : vector<16xf32>
      %get3A_675 = arith.constant 12 : i32
      %get3A_676 = arith.index_cast %get3A_675 : i32 to index
      %get3A_677 = arith.constant 48 : index
      %get3A_678 = tpu.vector_load %arg13[%get3A_676, %get3A_677] {strides = array<i32>} : memref<32x128xf32, #tpu.memory_space<vmem>>, vector<16xf32>,
      %get3A_679 = arith.constant 12 : i32
      %get3A_680 = arith.index_cast %get3A_679 : i32 to index
      %get3A_681 = arith.constant 48 : index
      %get3A_682 = tpu.vector_load %arg14[%get3A_680, %get3A_681] {strides = array<i32>} : memref<32x128xf32, #tpu.memory_space<vmem>>, vector<16xf32>,
      %mul3A_683 = arith.mulf %get3A_678, %get3A_682 : vector<16xf32>
      %add3A_684 = arith.addf %mul3A_674, %mul3A_683 : vector<16xf32>
      %add3A_685 = arith.addf %add3A_665, %add3A_684 : vector<16xf32>
      %eq3A_686 = arith.constant 12 : i32
      %eq3A_687 = vector.broadcast %eq3A_686 : i32 to vector<16xi32>
      %eq3A_688 = arith.cmpi eq, %iota3A, %eq3A_687 : vector<16xi32>
      %reduce_sum3A_689 = arith.constant true
      %reduce_sum3A_690 = vector.broadcast %reduce_sum3A_689 : i1 to vector<16xi1>
      %reduce_sum3A_691 = tpu.scan <sum>, %add3A_685 masked %reduce_sum3A_690 : vector<16xf32>, vector<16xi1> -> vector<16xf32>
      %reduce_sum3A_692 = vector.extract %reduce_sum3A_691[15] : f32 from vector<16xf32>
      %add3A_693 = vector.broadcast %reduce_sum3A_692 : f32 to vector<16xf32>
      %add3A_694 = arith.addf %select_n3A_646, %add3A_693 : vector<16xf32>
      %select_n3A_695 = arith.select %eq3A_688, %add3A_694, %select_n3A_646 : vector<16xi1>, vector<16xf32>
      %get3A_696 = arith.constant 13 : i32
      %get3A_697 = arith.index_cast %get3A_696 : i32 to index
      %get3A_698 = arith.constant 0 : index
      %get3A_699 = tpu.vector_load %arg13[%get3A_697, %get3A_698] {strides = array<i32>} : memref<32x128xf32, #tpu.memory_space<vmem>>, vector<16xf32>,
      %get3A_700 = arith.constant 13 : i32
      %get3A_701 = arith.index_cast %get3A_700 : i32 to index
      %get3A_702 = arith.constant 0 : index
      %get3A_703 = tpu.vector_load %arg14[%get3A_701, %get3A_702] {strides = array<i32>} : memref<32x128xf32, #tpu.memory_space<vmem>>, vector<16xf32>,
      %mul3A_704 = arith.mulf %get3A_699, %get3A_703 : vector<16xf32>
      %get3A_705 = arith.constant 13 : i32
      %get3A_706 = arith.index_cast %get3A_705 : i32 to index
      %get3A_707 = arith.constant 16 : index
      %get3A_708 = tpu.vector_load %arg13[%get3A_706, %get3A_707] {strides = array<i32>} : memref<32x128xf32, #tpu.memory_space<vmem>>, vector<16xf32>,
      %get3A_709 = arith.constant 13 : i32
      %get3A_710 = arith.index_cast %get3A_709 : i32 to index
      %get3A_711 = arith.constant 16 : index
      %get3A_712 = tpu.vector_load %arg14[%get3A_710, %get3A_711] {strides = array<i32>} : memref<32x128xf32, #tpu.memory_space<vmem>>, vector<16xf32>,
      %mul3A_713 = arith.mulf %get3A_708, %get3A_712 : vector<16xf32>
      %add3A_714 = arith.addf %mul3A_704, %mul3A_713 : vector<16xf32>
      %get3A_715 = arith.constant 13 : i32
      %get3A_716 = arith.index_cast %get3A_715 : i32 to index
      %get3A_717 = arith.constant 32 : index
      %get3A_718 = tpu.vector_load %arg13[%get3A_716, %get3A_717] {strides = array<i32>} : memref<32x128xf32, #tpu.memory_space<vmem>>, vector<16xf32>,
      %get3A_719 = arith.constant 13 : i32
      %get3A_720 = arith.index_cast %get3A_719 : i32 to index
      %get3A_721 = arith.constant 32 : index
      %get3A_722 = tpu.vector_load %arg14[%get3A_720, %get3A_721] {strides = array<i32>} : memref<32x128xf32, #tpu.memory_space<vmem>>, vector<16xf32>,
      %mul3A_723 = arith.mulf %get3A_718, %get3A_722 : vector<16xf32>
      %get3A_724 = arith.constant 13 : i32
      %get3A_725 = arith.index_cast %get3A_724 : i32 to index
      %get3A_726 = arith.constant 48 : index
      %get3A_727 = tpu.vector_load %arg13[%get3A_725, %get3A_726] {strides = array<i32>} : memref<32x128xf32, #tpu.memory_space<vmem>>, vector<16xf32>,
      %get3A_728 = arith.constant 13 : i32
      %get3A_729 = arith.index_cast %get3A_728 : i32 to index
      %get3A_730 = arith.constant 48 : index
      %get3A_731 = tpu.vector_load %arg14[%get3A_729, %get3A_730] {strides = array<i32>} : memref<32x128xf32, #tpu.memory_space<vmem>>, vector<16xf32>,
      %mul3A_732 = arith.mulf %get3A_727, %get3A_731 : vector<16xf32>
      %add3A_733 = arith.addf %mul3A_723, %mul3A_732 : vector<16xf32>
      %add3A_734 = arith.addf %add3A_714, %add3A_733 : vector<16xf32>
      %eq3A_735 = arith.constant 13 : i32
      %eq3A_736 = vector.broadcast %eq3A_735 : i32 to vector<16xi32>
      %eq3A_737 = arith.cmpi eq, %iota3A, %eq3A_736 : vector<16xi32>
      %reduce_sum3A_738 = arith.constant true
      %reduce_sum3A_739 = vector.broadcast %reduce_sum3A_738 : i1 to vector<16xi1>
      %reduce_sum3A_740 = tpu.scan <sum>, %add3A_734 masked %reduce_sum3A_739 : vector<16xf32>, vector<16xi1> -> vector<16xf32>
      %reduce_sum3A_741 = vector.extract %reduce_sum3A_740[15] : f32 from vector<16xf32>
      %add3A_742 = vector.broadcast %reduce_sum3A_741 : f32 to vector<16xf32>
      %add3A_743 = arith.addf %select_n3A_695, %add3A_742 : vector<16xf32>
      %select_n3A_744 = arith.select %eq3A_737, %add3A_743, %select_n3A_695 : vector<16xi1>, vector<16xf32>
      %get3A_745 = arith.constant 14 : i32
      %get3A_746 = arith.index_cast %get3A_745 : i32 to index
      %get3A_747 = arith.constant 0 : index
      %get3A_748 = tpu.vector_load %arg13[%get3A_746, %get3A_747] {strides = array<i32>} : memref<32x128xf32, #tpu.memory_space<vmem>>, vector<16xf32>,
      %get3A_749 = arith.constant 14 : i32
      %get3A_750 = arith.index_cast %get3A_749 : i32 to index
      %get3A_751 = arith.constant 0 : index
      %get3A_752 = tpu.vector_load %arg14[%get3A_750, %get3A_751] {strides = array<i32>} : memref<32x128xf32, #tpu.memory_space<vmem>>, vector<16xf32>,
      %mul3A_753 = arith.mulf %get3A_748, %get3A_752 : vector<16xf32>
      %get3A_754 = arith.constant 14 : i32
      %get3A_755 = arith.index_cast %get3A_754 : i32 to index
      %get3A_756 = arith.constant 16 : index
      %get3A_757 = tpu.vector_load %arg13[%get3A_755, %get3A_756] {strides = array<i32>} : memref<32x128xf32, #tpu.memory_space<vmem>>, vector<16xf32>,
      %get3A_758 = arith.constant 14 : i32
      %get3A_759 = arith.index_cast %get3A_758 : i32 to index
      %get3A_760 = arith.constant 16 : index
      %get3A_761 = tpu.vector_load %arg14[%get3A_759, %get3A_760] {strides = array<i32>} : memref<32x128xf32, #tpu.memory_space<vmem>>, vector<16xf32>,
      %mul3A_762 = arith.mulf %get3A_757, %get3A_761 : vector<16xf32>
      %add3A_763 = arith.addf %mul3A_753, %mul3A_762 : vector<16xf32>
      %get3A_764 = arith.constant 14 : i32
      %get3A_765 = arith.index_cast %get3A_764 : i32 to index
      %get3A_766 = arith.constant 32 : index
      %get3A_767 = tpu.vector_load %arg13[%get3A_765, %get3A_766] {strides = array<i32>} : memref<32x128xf32, #tpu.memory_space<vmem>>, vector<16xf32>,
      %get3A_768 = arith.constant 14 : i32
      %get3A_769 = arith.index_cast %get3A_768 : i32 to index
      %get3A_770 = arith.constant 32 : index
      %get3A_771 = tpu.vector_load %arg14[%get3A_769, %get3A_770] {strides = array<i32>} : memref<32x128xf32, #tpu.memory_space<vmem>>, vector<16xf32>,
      %mul3A_772 = arith.mulf %get3A_767, %get3A_771 : vector<16xf32>
      %get3A_773 = arith.constant 14 : i32
      %get3A_774 = arith.index_cast %get3A_773 : i32 to index
      %get3A_775 = arith.constant 48 : index
      %get3A_776 = tpu.vector_load %arg13[%get3A_774, %get3A_775] {strides = array<i32>} : memref<32x128xf32, #tpu.memory_space<vmem>>, vector<16xf32>,
      %get3A_777 = arith.constant 14 : i32
      %get3A_778 = arith.index_cast %get3A_777 : i32 to index
      %get3A_779 = arith.constant 48 : index
      %get3A_780 = tpu.vector_load %arg14[%get3A_778, %get3A_779] {strides = array<i32>} : memref<32x128xf32, #tpu.memory_space<vmem>>, vector<16xf32>,
      %mul3A_781 = arith.mulf %get3A_776, %get3A_780 : vector<16xf32>
      %add3A_782 = arith.addf %mul3A_772, %mul3A_781 : vector<16xf32>
      %add3A_783 = arith.addf %add3A_763, %add3A_782 : vector<16xf32>
      %eq3A_784 = arith.constant 14 : i32
      %eq3A_785 = vector.broadcast %eq3A_784 : i32 to vector<16xi32>
      %eq3A_786 = arith.cmpi eq, %iota3A, %eq3A_785 : vector<16xi32>
      %reduce_sum3A_787 = arith.constant true
      %reduce_sum3A_788 = vector.broadcast %reduce_sum3A_787 : i1 to vector<16xi1>
      %reduce_sum3A_789 = tpu.scan <sum>, %add3A_783 masked %reduce_sum3A_788 : vector<16xf32>, vector<16xi1> -> vector<16xf32>
      %reduce_sum3A_790 = vector.extract %reduce_sum3A_789[15] : f32 from vector<16xf32>
      %add3A_791 = vector.broadcast %reduce_sum3A_790 : f32 to vector<16xf32>
      %add3A_792 = arith.addf %select_n3A_744, %add3A_791 : vector<16xf32>
      %select_n3A_793 = arith.select %eq3A_786, %add3A_792, %select_n3A_744 : vector<16xi1>, vector<16xf32>
      %get3A_794 = arith.constant 15 : i32
      %get3A_795 = arith.index_cast %get3A_794 : i32 to index
      %get3A_796 = arith.constant 0 : index
      %get3A_797 = tpu.vector_load %arg13[%get3A_795, %get3A_796] {strides = array<i32>} : memref<32x128xf32, #tpu.memory_space<vmem>>, vector<16xf32>,
      %get3A_798 = arith.constant 15 : i32
      %get3A_799 = arith.index_cast %get3A_798 : i32 to index
      %get3A_800 = arith.constant 0 : index
      %get3A_801 = tpu.vector_load %arg14[%get3A_799, %get3A_800] {strides = array<i32>} : memref<32x128xf32, #tpu.memory_space<vmem>>, vector<16xf32>,
      %mul3A_802 = arith.mulf %get3A_797, %get3A_801 : vector<16xf32>
      %get3A_803 = arith.constant 15 : i32
      %get3A_804 = arith.index_cast %get3A_803 : i32 to index
      %get3A_805 = arith.constant 16 : index
      %get3A_806 = tpu.vector_load %arg13[%get3A_804, %get3A_805] {strides = array<i32>} : memref<32x128xf32, #tpu.memory_space<vmem>>, vector<16xf32>,
      %get3A_807 = arith.constant 15 : i32
      %get3A_808 = arith.index_cast %get3A_807 : i32 to index
      %get3A_809 = arith.constant 16 : index
      %get3A_810 = tpu.vector_load %arg14[%get3A_808, %get3A_809] {strides = array<i32>} : memref<32x128xf32, #tpu.memory_space<vmem>>, vector<16xf32>,
      %mul3A_811 = arith.mulf %get3A_806, %get3A_810 : vector<16xf32>
      %add3A_812 = arith.addf %mul3A_802, %mul3A_811 : vector<16xf32>
      %get3A_813 = arith.constant 15 : i32
      %get3A_814 = arith.index_cast %get3A_813 : i32 to index
      %get3A_815 = arith.constant 32 : index
      %get3A_816 = tpu.vector_load %arg13[%get3A_814, %get3A_815] {strides = array<i32>} : memref<32x128xf32, #tpu.memory_space<vmem>>, vector<16xf32>,
      %get3A_817 = arith.constant 15 : i32
      %get3A_818 = arith.index_cast %get3A_817 : i32 to index
      %get3A_819 = arith.constant 32 : index
      %get3A_820 = tpu.vector_load %arg14[%get3A_818, %get3A_819] {strides = array<i32>} : memref<32x128xf32, #tpu.memory_space<vmem>>, vector<16xf32>,
      %mul3A_821 = arith.mulf %get3A_816, %get3A_820 : vector<16xf32>
      %get3A_822 = arith.constant 15 : i32
      %get3A_823 = arith.index_cast %get3A_822 : i32 to index
      %get3A_824 = arith.constant 48 : index
      %get3A_825 = tpu.vector_load %arg13[%get3A_823, %get3A_824] {strides = array<i32>} : memref<32x128xf32, #tpu.memory_space<vmem>>, vector<16xf32>,
      %get3A_826 = arith.constant 15 : i32
      %get3A_827 = arith.index_cast %get3A_826 : i32 to index
      %get3A_828 = arith.constant 48 : index
      %get3A_829 = tpu.vector_load %arg14[%get3A_827, %get3A_828] {strides = array<i32>} : memref<32x128xf32, #tpu.memory_space<vmem>>, vector<16xf32>,
      %mul3A_830 = arith.mulf %get3A_825, %get3A_829 : vector<16xf32>
      %add3A_831 = arith.addf %mul3A_821, %mul3A_830 : vector<16xf32>
      %add3A_832 = arith.addf %add3A_812, %add3A_831 : vector<16xf32>
      %eq3A_833 = arith.constant 15 : i32
      %eq3A_834 = vector.broadcast %eq3A_833 : i32 to vector<16xi32>
      %eq3A_835 = arith.cmpi eq, %iota3A, %eq3A_834 : vector<16xi32>
      %reduce_sum3A_836 = arith.constant true
      %reduce_sum3A_837 = vector.broadcast %reduce_sum3A_836 : i1 to vector<16xi1>
      %reduce_sum3A_838 = tpu.scan <sum>, %add3A_832 masked %reduce_sum3A_837 : vector<16xf32>, vector<16xi1> -> vector<16xf32>
      %reduce_sum3A_839 = vector.extract %reduce_sum3A_838[15] : f32 from vector<16xf32>
      %add3A_840 = vector.broadcast %reduce_sum3A_839 : f32 to vector<16xf32>
      %add3A_841 = arith.addf %select_n3A_793, %add3A_840 : vector<16xf32>
      %select_n3A_842 = arith.select %eq3A_835, %add3A_841, %select_n3A_793 : vector<16xi1>, vector<16xf32>
      %swap3A = arith.index_cast %add3A_48 : i32 to index
      %swap3A_843 = tpu.vector_load %arg17[%swap3A] {strides = array<i32>} : memref<512xf32, #tpu.memory_space<vmem>>, vector<16xf32>,
      tpu.vector_store %arg17[%swap3A], %select_n3A_842 {strides = array<i32>} : memref<512xf32, #tpu.memory_space<vmem>>, vector<16xf32>,
      %add3A_844 = arith.constant 16 : i32
      %add3A_845 = arith.addi %mul3A_16, %add3A_844 : i32
      %get3A_846 = arith.index_cast %add3A_845 : i32 to index
      %get3A_847 = tpu.vector_load %arg9[%get3A_846] {strides = array<i32>} : memref<512xi32, #tpu.memory_space<vmem>>, vector<16xi32>,
      %get3A_848 = arith.index_cast %add3A_845 : i32 to index
      %get3A_849 = tpu.vector_load %arg10[%get3A_848] {strides = array<i32>} : memref<512xi32, #tpu.memory_space<vmem>>, vector<16xi32>,
      %add3A_850 = arith.constant 16 : i32
      %add3A_851 = vector.broadcast %add3A_850 : i32 to vector<16xi32>
      %add3A_852 = arith.addi %add3A_851, %iota3A : vector<16xi32>
      %and3A_853 = arith.constant 127 : i32
      %and3A_854 = vector.broadcast %and3A_853 : i32 to vector<16xi32>
      %and3A_855 = arith.andi %get3A_847, %and3A_854 : vector<16xi32>
      %gather3A_856 = tpu.vector_load_idx %arg15[%add3A_852, %and3A_855] : memref<32x128xf32, #tpu.memory_space<vmem>>[vector<16xi32>, vector<16xi32>], vector<16xf32>,
      %and3A_857 = arith.constant 127 : i32
      %and3A_858 = vector.broadcast %and3A_857 : i32 to vector<16xi32>
      %and3A_859 = arith.andi %get3A_849, %and3A_858 : vector<16xi32>
      %gather3A_860 = tpu.vector_load_idx %arg16[%add3A_852, %and3A_859] : memref<32x128xf32, #tpu.memory_space<vmem>>[vector<16xi32>, vector<16xi32>], vector<16xf32>,
      %add3A_861 = arith.addf %gather3A_856, %gather3A_860 : vector<16xf32>
      %get3A_862 = arith.constant 16 : i32
      %get3A_863 = arith.index_cast %get3A_862 : i32 to index
      %get3A_864 = arith.constant 0 : index
      %get3A_865 = tpu.vector_load %arg13[%get3A_863, %get3A_864] {strides = array<i32>} : memref<32x128xf32, #tpu.memory_space<vmem>>, vector<16xf32>,
      %get3A_866 = arith.constant 16 : i32
      %get3A_867 = arith.index_cast %get3A_866 : i32 to index
      %get3A_868 = arith.constant 0 : index
      %get3A_869 = tpu.vector_load %arg14[%get3A_867, %get3A_868] {strides = array<i32>} : memref<32x128xf32, #tpu.memory_space<vmem>>, vector<16xf32>,
      %mul3A_870 = arith.mulf %get3A_865, %get3A_869 : vector<16xf32>
      %get3A_871 = arith.constant 16 : i32
      %get3A_872 = arith.index_cast %get3A_871 : i32 to index
      %get3A_873 = arith.constant 16 : index
      %get3A_874 = tpu.vector_load %arg13[%get3A_872, %get3A_873] {strides = array<i32>} : memref<32x128xf32, #tpu.memory_space<vmem>>, vector<16xf32>,
      %get3A_875 = arith.constant 16 : i32
      %get3A_876 = arith.index_cast %get3A_875 : i32 to index
      %get3A_877 = arith.constant 16 : index
      %get3A_878 = tpu.vector_load %arg14[%get3A_876, %get3A_877] {strides = array<i32>} : memref<32x128xf32, #tpu.memory_space<vmem>>, vector<16xf32>,
      %mul3A_879 = arith.mulf %get3A_874, %get3A_878 : vector<16xf32>
      %add3A_880 = arith.addf %mul3A_870, %mul3A_879 : vector<16xf32>
      %get3A_881 = arith.constant 16 : i32
      %get3A_882 = arith.index_cast %get3A_881 : i32 to index
      %get3A_883 = arith.constant 32 : index
      %get3A_884 = tpu.vector_load %arg13[%get3A_882, %get3A_883] {strides = array<i32>} : memref<32x128xf32, #tpu.memory_space<vmem>>, vector<16xf32>,
      %get3A_885 = arith.constant 16 : i32
      %get3A_886 = arith.index_cast %get3A_885 : i32 to index
      %get3A_887 = arith.constant 32 : index
      %get3A_888 = tpu.vector_load %arg14[%get3A_886, %get3A_887] {strides = array<i32>} : memref<32x128xf32, #tpu.memory_space<vmem>>, vector<16xf32>,
      %mul3A_889 = arith.mulf %get3A_884, %get3A_888 : vector<16xf32>
      %get3A_890 = arith.constant 16 : i32
      %get3A_891 = arith.index_cast %get3A_890 : i32 to index
      %get3A_892 = arith.constant 48 : index
      %get3A_893 = tpu.vector_load %arg13[%get3A_891, %get3A_892] {strides = array<i32>} : memref<32x128xf32, #tpu.memory_space<vmem>>, vector<16xf32>,
      %get3A_894 = arith.constant 16 : i32
      %get3A_895 = arith.index_cast %get3A_894 : i32 to index
      %get3A_896 = arith.constant 48 : index
      %get3A_897 = tpu.vector_load %arg14[%get3A_895, %get3A_896] {strides = array<i32>} : memref<32x128xf32, #tpu.memory_space<vmem>>, vector<16xf32>,
      %mul3A_898 = arith.mulf %get3A_893, %get3A_897 : vector<16xf32>
      %add3A_899 = arith.addf %mul3A_889, %mul3A_898 : vector<16xf32>
      %add3A_900 = arith.addf %add3A_880, %add3A_899 : vector<16xf32>
      %eq3A_901 = arith.constant 0 : i32
      %eq3A_902 = vector.broadcast %eq3A_901 : i32 to vector<16xi32>
      %eq3A_903 = arith.cmpi eq, %iota3A, %eq3A_902 : vector<16xi32>
      %reduce_sum3A_904 = arith.constant true
      %reduce_sum3A_905 = vector.broadcast %reduce_sum3A_904 : i1 to vector<16xi1>
      %reduce_sum3A_906 = tpu.scan <sum>, %add3A_900 masked %reduce_sum3A_905 : vector<16xf32>, vector<16xi1> -> vector<16xf32>
      %reduce_sum3A_907 = vector.extract %reduce_sum3A_906[15] : f32 from vector<16xf32>
      %add3A_908 = vector.broadcast %reduce_sum3A_907 : f32 to vector<16xf32>
      %add3A_909 = arith.addf %add3A_861, %add3A_908 : vector<16xf32>
      %select_n3A_910 = arith.select %eq3A_903, %add3A_909, %add3A_861 : vector<16xi1>, vector<16xf32>
      %get3A_911 = arith.constant 17 : i32
      %get3A_912 = arith.index_cast %get3A_911 : i32 to index
      %get3A_913 = arith.constant 0 : index
      %get3A_914 = tpu.vector_load %arg13[%get3A_912, %get3A_913] {strides = array<i32>} : memref<32x128xf32, #tpu.memory_space<vmem>>, vector<16xf32>,
      %get3A_915 = arith.constant 17 : i32
      %get3A_916 = arith.index_cast %get3A_915 : i32 to index
      %get3A_917 = arith.constant 0 : index
      %get3A_918 = tpu.vector_load %arg14[%get3A_916, %get3A_917] {strides = array<i32>} : memref<32x128xf32, #tpu.memory_space<vmem>>, vector<16xf32>,
      %mul3A_919 = arith.mulf %get3A_914, %get3A_918 : vector<16xf32>
      %get3A_920 = arith.constant 17 : i32
      %get3A_921 = arith.index_cast %get3A_920 : i32 to index
      %get3A_922 = arith.constant 16 : index
      %get3A_923 = tpu.vector_load %arg13[%get3A_921, %get3A_922] {strides = array<i32>} : memref<32x128xf32, #tpu.memory_space<vmem>>, vector<16xf32>,
      %get3A_924 = arith.constant 17 : i32
      %get3A_925 = arith.index_cast %get3A_924 : i32 to index
      %get3A_926 = arith.constant 16 : index
      %get3A_927 = tpu.vector_load %arg14[%get3A_925, %get3A_926] {strides = array<i32>} : memref<32x128xf32, #tpu.memory_space<vmem>>, vector<16xf32>,
      %mul3A_928 = arith.mulf %get3A_923, %get3A_927 : vector<16xf32>
      %add3A_929 = arith.addf %mul3A_919, %mul3A_928 : vector<16xf32>
      %get3A_930 = arith.constant 17 : i32
      %get3A_931 = arith.index_cast %get3A_930 : i32 to index
      %get3A_932 = arith.constant 32 : index
      %get3A_933 = tpu.vector_load %arg13[%get3A_931, %get3A_932] {strides = array<i32>} : memref<32x128xf32, #tpu.memory_space<vmem>>, vector<16xf32>,
      %get3A_934 = arith.constant 17 : i32
      %get3A_935 = arith.index_cast %get3A_934 : i32 to index
      %get3A_936 = arith.constant 32 : index
      %get3A_937 = tpu.vector_load %arg14[%get3A_935, %get3A_936] {strides = array<i32>} : memref<32x128xf32, #tpu.memory_space<vmem>>, vector<16xf32>,
      %mul3A_938 = arith.mulf %get3A_933, %get3A_937 : vector<16xf32>
      %get3A_939 = arith.constant 17 : i32
      %get3A_940 = arith.index_cast %get3A_939 : i32 to index
      %get3A_941 = arith.constant 48 : index
      %get3A_942 = tpu.vector_load %arg13[%get3A_940, %get3A_941] {strides = array<i32>} : memref<32x128xf32, #tpu.memory_space<vmem>>, vector<16xf32>,
      %get3A_943 = arith.constant 17 : i32
      %get3A_944 = arith.index_cast %get3A_943 : i32 to index
      %get3A_945 = arith.constant 48 : index
      %get3A_946 = tpu.vector_load %arg14[%get3A_944, %get3A_945] {strides = array<i32>} : memref<32x128xf32, #tpu.memory_space<vmem>>, vector<16xf32>,
      %mul3A_947 = arith.mulf %get3A_942, %get3A_946 : vector<16xf32>
      %add3A_948 = arith.addf %mul3A_938, %mul3A_947 : vector<16xf32>
      %add3A_949 = arith.addf %add3A_929, %add3A_948 : vector<16xf32>
      %eq3A_950 = arith.constant 1 : i32
      %eq3A_951 = vector.broadcast %eq3A_950 : i32 to vector<16xi32>
      %eq3A_952 = arith.cmpi eq, %iota3A, %eq3A_951 : vector<16xi32>
      %reduce_sum3A_953 = arith.constant true
      %reduce_sum3A_954 = vector.broadcast %reduce_sum3A_953 : i1 to vector<16xi1>
      %reduce_sum3A_955 = tpu.scan <sum>, %add3A_949 masked %reduce_sum3A_954 : vector<16xf32>, vector<16xi1> -> vector<16xf32>
      %reduce_sum3A_956 = vector.extract %reduce_sum3A_955[15] : f32 from vector<16xf32>
      %add3A_957 = vector.broadcast %reduce_sum3A_956 : f32 to vector<16xf32>
      %add3A_958 = arith.addf %select_n3A_910, %add3A_957 : vector<16xf32>
      %select_n3A_959 = arith.select %eq3A_952, %add3A_958, %select_n3A_910 : vector<16xi1>, vector<16xf32>
      %get3A_960 = arith.constant 18 : i32
      %get3A_961 = arith.index_cast %get3A_960 : i32 to index
      %get3A_962 = arith.constant 0 : index
      %get3A_963 = tpu.vector_load %arg13[%get3A_961, %get3A_962] {strides = array<i32>} : memref<32x128xf32, #tpu.memory_space<vmem>>, vector<16xf32>,
      %get3A_964 = arith.constant 18 : i32
      %get3A_965 = arith.index_cast %get3A_964 : i32 to index
      %get3A_966 = arith.constant 0 : index
      %get3A_967 = tpu.vector_load %arg14[%get3A_965, %get3A_966] {strides = array<i32>} : memref<32x128xf32, #tpu.memory_space<vmem>>, vector<16xf32>,
      %mul3A_968 = arith.mulf %get3A_963, %get3A_967 : vector<16xf32>
      %get3A_969 = arith.constant 18 : i32
      %get3A_970 = arith.index_cast %get3A_969 : i32 to index
      %get3A_971 = arith.constant 16 : index
      %get3A_972 = tpu.vector_load %arg13[%get3A_970, %get3A_971] {strides = array<i32>} : memref<32x128xf32, #tpu.memory_space<vmem>>, vector<16xf32>,
      %get3A_973 = arith.constant 18 : i32
      %get3A_974 = arith.index_cast %get3A_973 : i32 to index
      %get3A_975 = arith.constant 16 : index
      %get3A_976 = tpu.vector_load %arg14[%get3A_974, %get3A_975] {strides = array<i32>} : memref<32x128xf32, #tpu.memory_space<vmem>>, vector<16xf32>,
      %mul3A_977 = arith.mulf %get3A_972, %get3A_976 : vector<16xf32>
      %add3A_978 = arith.addf %mul3A_968, %mul3A_977 : vector<16xf32>
      %get3A_979 = arith.constant 18 : i32
      %get3A_980 = arith.index_cast %get3A_979 : i32 to index
      %get3A_981 = arith.constant 32 : index
      %get3A_982 = tpu.vector_load %arg13[%get3A_980, %get3A_981] {strides = array<i32>} : memref<32x128xf32, #tpu.memory_space<vmem>>, vector<16xf32>,
      %get3A_983 = arith.constant 18 : i32
      %get3A_984 = arith.index_cast %get3A_983 : i32 to index
      %get3A_985 = arith.constant 32 : index
      %get3A_986 = tpu.vector_load %arg14[%get3A_984, %get3A_985] {strides = array<i32>} : memref<32x128xf32, #tpu.memory_space<vmem>>, vector<16xf32>,
      %mul3A_987 = arith.mulf %get3A_982, %get3A_986 : vector<16xf32>
      %get3A_988 = arith.constant 18 : i32
      %get3A_989 = arith.index_cast %get3A_988 : i32 to index
      %get3A_990 = arith.constant 48 : index
      %get3A_991 = tpu.vector_load %arg13[%get3A_989, %get3A_990] {strides = array<i32>} : memref<32x128xf32, #tpu.memory_space<vmem>>, vector<16xf32>,
      %get3A_992 = arith.constant 18 : i32
      %get3A_993 = arith.index_cast %get3A_992 : i32 to index
      %get3A_994 = arith.constant 48 : index
      %get3A_995 = tpu.vector_load %arg14[%get3A_993, %get3A_994] {strides = array<i32>} : memref<32x128xf32, #tpu.memory_space<vmem>>, vector<16xf32>,
      %mul3A_996 = arith.mulf %get3A_991, %get3A_995 : vector<16xf32>
      %add3A_997 = arith.addf %mul3A_987, %mul3A_996 : vector<16xf32>
      %add3A_998 = arith.addf %add3A_978, %add3A_997 : vector<16xf32>
      %eq3A_999 = arith.constant 2 : i32
      %eq3A_1000 = vector.broadcast %eq3A_999 : i32 to vector<16xi32>
      %eq3A_1001 = arith.cmpi eq, %iota3A, %eq3A_1000 : vector<16xi32>
      %reduce_sum3A_1002 = arith.constant true
      %reduce_sum3A_1003 = vector.broadcast %reduce_sum3A_1002 : i1 to vector<16xi1>
      %reduce_sum3A_1004 = tpu.scan <sum>, %add3A_998 masked %reduce_sum3A_1003 : vector<16xf32>, vector<16xi1> -> vector<16xf32>
      %reduce_sum3A_1005 = vector.extract %reduce_sum3A_1004[15] : f32 from vector<16xf32>
      %add3A_1006 = vector.broadcast %reduce_sum3A_1005 : f32 to vector<16xf32>
      %add3A_1007 = arith.addf %select_n3A_959, %add3A_1006 : vector<16xf32>
      %select_n3A_1008 = arith.select %eq3A_1001, %add3A_1007, %select_n3A_959 : vector<16xi1>, vector<16xf32>
      %get3A_1009 = arith.constant 19 : i32
      %get3A_1010 = arith.index_cast %get3A_1009 : i32 to index
      %get3A_1011 = arith.constant 0 : index
      %get3A_1012 = tpu.vector_load %arg13[%get3A_1010, %get3A_1011] {strides = array<i32>} : memref<32x128xf32, #tpu.memory_space<vmem>>, vector<16xf32>,
      %get3A_1013 = arith.constant 19 : i32
      %get3A_1014 = arith.index_cast %get3A_1013 : i32 to index
      %get3A_1015 = arith.constant 0 : index
      %get3A_1016 = tpu.vector_load %arg14[%get3A_1014, %get3A_1015] {strides = array<i32>} : memref<32x128xf32, #tpu.memory_space<vmem>>, vector<16xf32>,
      %mul3A_1017 = arith.mulf %get3A_1012, %get3A_1016 : vector<16xf32>
      %get3A_1018 = arith.constant 19 : i32
      %get3A_1019 = arith.index_cast %get3A_1018 : i32 to index
      %get3A_1020 = arith.constant 16 : index
      %get3A_1021 = tpu.vector_load %arg13[%get3A_1019, %get3A_1020] {strides = array<i32>} : memref<32x128xf32, #tpu.memory_space<vmem>>, vector<16xf32>,
      %get3A_1022 = arith.constant 19 : i32
      %get3A_1023 = arith.index_cast %get3A_1022 : i32 to index
      %get3A_1024 = arith.constant 16 : index
      %get3A_1025 = tpu.vector_load %arg14[%get3A_1023, %get3A_1024] {strides = array<i32>} : memref<32x128xf32, #tpu.memory_space<vmem>>, vector<16xf32>,
      %mul3A_1026 = arith.mulf %get3A_1021, %get3A_1025 : vector<16xf32>
      %add3A_1027 = arith.addf %mul3A_1017, %mul3A_1026 : vector<16xf32>
      %get3A_1028 = arith.constant 19 : i32
      %get3A_1029 = arith.index_cast %get3A_1028 : i32 to index
      %get3A_1030 = arith.constant 32 : index
      %get3A_1031 = tpu.vector_load %arg13[%get3A_1029, %get3A_1030] {strides = array<i32>} : memref<32x128xf32, #tpu.memory_space<vmem>>, vector<16xf32>,
      %get3A_1032 = arith.constant 19 : i32
      %get3A_1033 = arith.index_cast %get3A_1032 : i32 to index
      %get3A_1034 = arith.constant 32 : index
      %get3A_1035 = tpu.vector_load %arg14[%get3A_1033, %get3A_1034] {strides = array<i32>} : memref<32x128xf32, #tpu.memory_space<vmem>>, vector<16xf32>,
      %mul3A_1036 = arith.mulf %get3A_1031, %get3A_1035 : vector<16xf32>
      %get3A_1037 = arith.constant 19 : i32
      %get3A_1038 = arith.index_cast %get3A_1037 : i32 to index
      %get3A_1039 = arith.constant 48 : index
      %get3A_1040 = tpu.vector_load %arg13[%get3A_1038, %get3A_1039] {strides = array<i32>} : memref<32x128xf32, #tpu.memory_space<vmem>>, vector<16xf32>,
      %get3A_1041 = arith.constant 19 : i32
      %get3A_1042 = arith.index_cast %get3A_1041 : i32 to index
      %get3A_1043 = arith.constant 48 : index
      %get3A_1044 = tpu.vector_load %arg14[%get3A_1042, %get3A_1043] {strides = array<i32>} : memref<32x128xf32, #tpu.memory_space<vmem>>, vector<16xf32>,
      %mul3A_1045 = arith.mulf %get3A_1040, %get3A_1044 : vector<16xf32>
      %add3A_1046 = arith.addf %mul3A_1036, %mul3A_1045 : vector<16xf32>
      %add3A_1047 = arith.addf %add3A_1027, %add3A_1046 : vector<16xf32>
      %eq3A_1048 = arith.constant 3 : i32
      %eq3A_1049 = vector.broadcast %eq3A_1048 : i32 to vector<16xi32>
      %eq3A_1050 = arith.cmpi eq, %iota3A, %eq3A_1049 : vector<16xi32>
      %reduce_sum3A_1051 = arith.constant true
      %reduce_sum3A_1052 = vector.broadcast %reduce_sum3A_1051 : i1 to vector<16xi1>
      %reduce_sum3A_1053 = tpu.scan <sum>, %add3A_1047 masked %reduce_sum3A_1052 : vector<16xf32>, vector<16xi1> -> vector<16xf32>
      %reduce_sum3A_1054 = vector.extract %reduce_sum3A_1053[15] : f32 from vector<16xf32>
      %add3A_1055 = vector.broadcast %reduce_sum3A_1054 : f32 to vector<16xf32>
      %add3A_1056 = arith.addf %select_n3A_1008, %add3A_1055 : vector<16xf32>
      %select_n3A_1057 = arith.select %eq3A_1050, %add3A_1056, %select_n3A_1008 : vector<16xi1>, vector<16xf32>
      %get3A_1058 = arith.constant 20 : i32
      %get3A_1059 = arith.index_cast %get3A_1058 : i32 to index
      %get3A_1060 = arith.constant 0 : index
      %get3A_1061 = tpu.vector_load %arg13[%get3A_1059, %get3A_1060] {strides = array<i32>} : memref<32x128xf32, #tpu.memory_space<vmem>>, vector<16xf32>,
      %get3A_1062 = arith.constant 20 : i32
      %get3A_1063 = arith.index_cast %get3A_1062 : i32 to index
      %get3A_1064 = arith.constant 0 : index
      %get3A_1065 = tpu.vector_load %arg14[%get3A_1063, %get3A_1064] {strides = array<i32>} : memref<32x128xf32, #tpu.memory_space<vmem>>, vector<16xf32>,
      %mul3A_1066 = arith.mulf %get3A_1061, %get3A_1065 : vector<16xf32>
      %get3A_1067 = arith.constant 20 : i32
      %get3A_1068 = arith.index_cast %get3A_1067 : i32 to index
      %get3A_1069 = arith.constant 16 : index
      %get3A_1070 = tpu.vector_load %arg13[%get3A_1068, %get3A_1069] {strides = array<i32>} : memref<32x128xf32, #tpu.memory_space<vmem>>, vector<16xf32>,
      %get3A_1071 = arith.constant 20 : i32
      %get3A_1072 = arith.index_cast %get3A_1071 : i32 to index
      %get3A_1073 = arith.constant 16 : index
      %get3A_1074 = tpu.vector_load %arg14[%get3A_1072, %get3A_1073] {strides = array<i32>} : memref<32x128xf32, #tpu.memory_space<vmem>>, vector<16xf32>,
      %mul3A_1075 = arith.mulf %get3A_1070, %get3A_1074 : vector<16xf32>
      %add3A_1076 = arith.addf %mul3A_1066, %mul3A_1075 : vector<16xf32>
      %get3A_1077 = arith.constant 20 : i32
      %get3A_1078 = arith.index_cast %get3A_1077 : i32 to index
      %get3A_1079 = arith.constant 32 : index
      %get3A_1080 = tpu.vector_load %arg13[%get3A_1078, %get3A_1079] {strides = array<i32>} : memref<32x128xf32, #tpu.memory_space<vmem>>, vector<16xf32>,
      %get3A_1081 = arith.constant 20 : i32
      %get3A_1082 = arith.index_cast %get3A_1081 : i32 to index
      %get3A_1083 = arith.constant 32 : index
      %get3A_1084 = tpu.vector_load %arg14[%get3A_1082, %get3A_1083] {strides = array<i32>} : memref<32x128xf32, #tpu.memory_space<vmem>>, vector<16xf32>,
      %mul3A_1085 = arith.mulf %get3A_1080, %get3A_1084 : vector<16xf32>
      %get3A_1086 = arith.constant 20 : i32
      %get3A_1087 = arith.index_cast %get3A_1086 : i32 to index
      %get3A_1088 = arith.constant 48 : index
      %get3A_1089 = tpu.vector_load %arg13[%get3A_1087, %get3A_1088] {strides = array<i32>} : memref<32x128xf32, #tpu.memory_space<vmem>>, vector<16xf32>,
      %get3A_1090 = arith.constant 20 : i32
      %get3A_1091 = arith.index_cast %get3A_1090 : i32 to index
      %get3A_1092 = arith.constant 48 : index
      %get3A_1093 = tpu.vector_load %arg14[%get3A_1091, %get3A_1092] {strides = array<i32>} : memref<32x128xf32, #tpu.memory_space<vmem>>, vector<16xf32>,
      %mul3A_1094 = arith.mulf %get3A_1089, %get3A_1093 : vector<16xf32>
      %add3A_1095 = arith.addf %mul3A_1085, %mul3A_1094 : vector<16xf32>
      %add3A_1096 = arith.addf %add3A_1076, %add3A_1095 : vector<16xf32>
      %eq3A_1097 = arith.constant 4 : i32
      %eq3A_1098 = vector.broadcast %eq3A_1097 : i32 to vector<16xi32>
      %eq3A_1099 = arith.cmpi eq, %iota3A, %eq3A_1098 : vector<16xi32>
      %reduce_sum3A_1100 = arith.constant true
      %reduce_sum3A_1101 = vector.broadcast %reduce_sum3A_1100 : i1 to vector<16xi1>
      %reduce_sum3A_1102 = tpu.scan <sum>, %add3A_1096 masked %reduce_sum3A_1101 : vector<16xf32>, vector<16xi1> -> vector<16xf32>
      %reduce_sum3A_1103 = vector.extract %reduce_sum3A_1102[15] : f32 from vector<16xf32>
      %add3A_1104 = vector.broadcast %reduce_sum3A_1103 : f32 to vector<16xf32>
      %add3A_1105 = arith.addf %select_n3A_1057, %add3A_1104 : vector<16xf32>
      %select_n3A_1106 = arith.select %eq3A_1099, %add3A_1105, %select_n3A_1057 : vector<16xi1>, vector<16xf32>
      %get3A_1107 = arith.constant 21 : i32
      %get3A_1108 = arith.index_cast %get3A_1107 : i32 to index
      %get3A_1109 = arith.constant 0 : index
      %get3A_1110 = tpu.vector_load %arg13[%get3A_1108, %get3A_1109] {strides = array<i32>} : memref<32x128xf32, #tpu.memory_space<vmem>>, vector<16xf32>,
      %get3A_1111 = arith.constant 21 : i32
      %get3A_1112 = arith.index_cast %get3A_1111 : i32 to index
      %get3A_1113 = arith.constant 0 : index
      %get3A_1114 = tpu.vector_load %arg14[%get3A_1112, %get3A_1113] {strides = array<i32>} : memref<32x128xf32, #tpu.memory_space<vmem>>, vector<16xf32>,
      %mul3A_1115 = arith.mulf %get3A_1110, %get3A_1114 : vector<16xf32>
      %get3A_1116 = arith.constant 21 : i32
      %get3A_1117 = arith.index_cast %get3A_1116 : i32 to index
      %get3A_1118 = arith.constant 16 : index
      %get3A_1119 = tpu.vector_load %arg13[%get3A_1117, %get3A_1118] {strides = array<i32>} : memref<32x128xf32, #tpu.memory_space<vmem>>, vector<16xf32>,
      %get3A_1120 = arith.constant 21 : i32
      %get3A_1121 = arith.index_cast %get3A_1120 : i32 to index
      %get3A_1122 = arith.constant 16 : index
      %get3A_1123 = tpu.vector_load %arg14[%get3A_1121, %get3A_1122] {strides = array<i32>} : memref<32x128xf32, #tpu.memory_space<vmem>>, vector<16xf32>,
      %mul3A_1124 = arith.mulf %get3A_1119, %get3A_1123 : vector<16xf32>
      %add3A_1125 = arith.addf %mul3A_1115, %mul3A_1124 : vector<16xf32>
      %get3A_1126 = arith.constant 21 : i32
      %get3A_1127 = arith.index_cast %get3A_1126 : i32 to index
      %get3A_1128 = arith.constant 32 : index
      %get3A_1129 = tpu.vector_load %arg13[%get3A_1127, %get3A_1128] {strides = array<i32>} : memref<32x128xf32, #tpu.memory_space<vmem>>, vector<16xf32>,
      %get3A_1130 = arith.constant 21 : i32
      %get3A_1131 = arith.index_cast %get3A_1130 : i32 to index
      %get3A_1132 = arith.constant 32 : index
      %get3A_1133 = tpu.vector_load %arg14[%get3A_1131, %get3A_1132] {strides = array<i32>} : memref<32x128xf32, #tpu.memory_space<vmem>>, vector<16xf32>,
      %mul3A_1134 = arith.mulf %get3A_1129, %get3A_1133 : vector<16xf32>
      %get3A_1135 = arith.constant 21 : i32
      %get3A_1136 = arith.index_cast %get3A_1135 : i32 to index
      %get3A_1137 = arith.constant 48 : index
      %get3A_1138 = tpu.vector_load %arg13[%get3A_1136, %get3A_1137] {strides = array<i32>} : memref<32x128xf32, #tpu.memory_space<vmem>>, vector<16xf32>,
      %get3A_1139 = arith.constant 21 : i32
      %get3A_1140 = arith.index_cast %get3A_1139 : i32 to index
      %get3A_1141 = arith.constant 48 : index
      %get3A_1142 = tpu.vector_load %arg14[%get3A_1140, %get3A_1141] {strides = array<i32>} : memref<32x128xf32, #tpu.memory_space<vmem>>, vector<16xf32>,
      %mul3A_1143 = arith.mulf %get3A_1138, %get3A_1142 : vector<16xf32>
      %add3A_1144 = arith.addf %mul3A_1134, %mul3A_1143 : vector<16xf32>
      %add3A_1145 = arith.addf %add3A_1125, %add3A_1144 : vector<16xf32>
      %eq3A_1146 = arith.constant 5 : i32
      %eq3A_1147 = vector.broadcast %eq3A_1146 : i32 to vector<16xi32>
      %eq3A_1148 = arith.cmpi eq, %iota3A, %eq3A_1147 : vector<16xi32>
      %reduce_sum3A_1149 = arith.constant true
      %reduce_sum3A_1150 = vector.broadcast %reduce_sum3A_1149 : i1 to vector<16xi1>
      %reduce_sum3A_1151 = tpu.scan <sum>, %add3A_1145 masked %reduce_sum3A_1150 : vector<16xf32>, vector<16xi1> -> vector<16xf32>
      %reduce_sum3A_1152 = vector.extract %reduce_sum3A_1151[15] : f32 from vector<16xf32>
      %add3A_1153 = vector.broadcast %reduce_sum3A_1152 : f32 to vector<16xf32>
      %add3A_1154 = arith.addf %select_n3A_1106, %add3A_1153 : vector<16xf32>
      %select_n3A_1155 = arith.select %eq3A_1148, %add3A_1154, %select_n3A_1106 : vector<16xi1>, vector<16xf32>
      %get3A_1156 = arith.constant 22 : i32
      %get3A_1157 = arith.index_cast %get3A_1156 : i32 to index
      %get3A_1158 = arith.constant 0 : index
      %get3A_1159 = tpu.vector_load %arg13[%get3A_1157, %get3A_1158] {strides = array<i32>} : memref<32x128xf32, #tpu.memory_space<vmem>>, vector<16xf32>,
      %get3A_1160 = arith.constant 22 : i32
      %get3A_1161 = arith.index_cast %get3A_1160 : i32 to index
      %get3A_1162 = arith.constant 0 : index
      %get3A_1163 = tpu.vector_load %arg14[%get3A_1161, %get3A_1162] {strides = array<i32>} : memref<32x128xf32, #tpu.memory_space<vmem>>, vector<16xf32>,
      %mul3A_1164 = arith.mulf %get3A_1159, %get3A_1163 : vector<16xf32>
      %get3A_1165 = arith.constant 22 : i32
      %get3A_1166 = arith.index_cast %get3A_1165 : i32 to index
      %get3A_1167 = arith.constant 16 : index
      %get3A_1168 = tpu.vector_load %arg13[%get3A_1166, %get3A_1167] {strides = array<i32>} : memref<32x128xf32, #tpu.memory_space<vmem>>, vector<16xf32>,
      %get3A_1169 = arith.constant 22 : i32
      %get3A_1170 = arith.index_cast %get3A_1169 : i32 to index
      %get3A_1171 = arith.constant 16 : index
      %get3A_1172 = tpu.vector_load %arg14[%get3A_1170, %get3A_1171] {strides = array<i32>} : memref<32x128xf32, #tpu.memory_space<vmem>>, vector<16xf32>,
      %mul3A_1173 = arith.mulf %get3A_1168, %get3A_1172 : vector<16xf32>
      %add3A_1174 = arith.addf %mul3A_1164, %mul3A_1173 : vector<16xf32>
      %get3A_1175 = arith.constant 22 : i32
      %get3A_1176 = arith.index_cast %get3A_1175 : i32 to index
      %get3A_1177 = arith.constant 32 : index
      %get3A_1178 = tpu.vector_load %arg13[%get3A_1176, %get3A_1177] {strides = array<i32>} : memref<32x128xf32, #tpu.memory_space<vmem>>, vector<16xf32>,
      %get3A_1179 = arith.constant 22 : i32
      %get3A_1180 = arith.index_cast %get3A_1179 : i32 to index
      %get3A_1181 = arith.constant 32 : index
      %get3A_1182 = tpu.vector_load %arg14[%get3A_1180, %get3A_1181] {strides = array<i32>} : memref<32x128xf32, #tpu.memory_space<vmem>>, vector<16xf32>,
      %mul3A_1183 = arith.mulf %get3A_1178, %get3A_1182 : vector<16xf32>
      %get3A_1184 = arith.constant 22 : i32
      %get3A_1185 = arith.index_cast %get3A_1184 : i32 to index
      %get3A_1186 = arith.constant 48 : index
      %get3A_1187 = tpu.vector_load %arg13[%get3A_1185, %get3A_1186] {strides = array<i32>} : memref<32x128xf32, #tpu.memory_space<vmem>>, vector<16xf32>,
      %get3A_1188 = arith.constant 22 : i32
      %get3A_1189 = arith.index_cast %get3A_1188 : i32 to index
      %get3A_1190 = arith.constant 48 : index
      %get3A_1191 = tpu.vector_load %arg14[%get3A_1189, %get3A_1190] {strides = array<i32>} : memref<32x128xf32, #tpu.memory_space<vmem>>, vector<16xf32>,
      %mul3A_1192 = arith.mulf %get3A_1187, %get3A_1191 : vector<16xf32>
      %add3A_1193 = arith.addf %mul3A_1183, %mul3A_1192 : vector<16xf32>
      %add3A_1194 = arith.addf %add3A_1174, %add3A_1193 : vector<16xf32>
      %eq3A_1195 = arith.constant 6 : i32
      %eq3A_1196 = vector.broadcast %eq3A_1195 : i32 to vector<16xi32>
      %eq3A_1197 = arith.cmpi eq, %iota3A, %eq3A_1196 : vector<16xi32>
      %reduce_sum3A_1198 = arith.constant true
      %reduce_sum3A_1199 = vector.broadcast %reduce_sum3A_1198 : i1 to vector<16xi1>
      %reduce_sum3A_1200 = tpu.scan <sum>, %add3A_1194 masked %reduce_sum3A_1199 : vector<16xf32>, vector<16xi1> -> vector<16xf32>
      %reduce_sum3A_1201 = vector.extract %reduce_sum3A_1200[15] : f32 from vector<16xf32>
      %add3A_1202 = vector.broadcast %reduce_sum3A_1201 : f32 to vector<16xf32>
      %add3A_1203 = arith.addf %select_n3A_1155, %add3A_1202 : vector<16xf32>
      %select_n3A_1204 = arith.select %eq3A_1197, %add3A_1203, %select_n3A_1155 : vector<16xi1>, vector<16xf32>
      %get3A_1205 = arith.constant 23 : i32
      %get3A_1206 = arith.index_cast %get3A_1205 : i32 to index
      %get3A_1207 = arith.constant 0 : index
      %get3A_1208 = tpu.vector_load %arg13[%get3A_1206, %get3A_1207] {strides = array<i32>} : memref<32x128xf32, #tpu.memory_space<vmem>>, vector<16xf32>,
      %get3A_1209 = arith.constant 23 : i32
      %get3A_1210 = arith.index_cast %get3A_1209 : i32 to index
      %get3A_1211 = arith.constant 0 : index
      %get3A_1212 = tpu.vector_load %arg14[%get3A_1210, %get3A_1211] {strides = array<i32>} : memref<32x128xf32, #tpu.memory_space<vmem>>, vector<16xf32>,
      %mul3A_1213 = arith.mulf %get3A_1208, %get3A_1212 : vector<16xf32>
      %get3A_1214 = arith.constant 23 : i32
      %get3A_1215 = arith.index_cast %get3A_1214 : i32 to index
      %get3A_1216 = arith.constant 16 : index
      %get3A_1217 = tpu.vector_load %arg13[%get3A_1215, %get3A_1216] {strides = array<i32>} : memref<32x128xf32, #tpu.memory_space<vmem>>, vector<16xf32>,
      %get3A_1218 = arith.constant 23 : i32
      %get3A_1219 = arith.index_cast %get3A_1218 : i32 to index
      %get3A_1220 = arith.constant 16 : index
      %get3A_1221 = tpu.vector_load %arg14[%get3A_1219, %get3A_1220] {strides = array<i32>} : memref<32x128xf32, #tpu.memory_space<vmem>>, vector<16xf32>,
      %mul3A_1222 = arith.mulf %get3A_1217, %get3A_1221 : vector<16xf32>
      %add3A_1223 = arith.addf %mul3A_1213, %mul3A_1222 : vector<16xf32>
      %get3A_1224 = arith.constant 23 : i32
      %get3A_1225 = arith.index_cast %get3A_1224 : i32 to index
      %get3A_1226 = arith.constant 32 : index
      %get3A_1227 = tpu.vector_load %arg13[%get3A_1225, %get3A_1226] {strides = array<i32>} : memref<32x128xf32, #tpu.memory_space<vmem>>, vector<16xf32>,
      %get3A_1228 = arith.constant 23 : i32
      %get3A_1229 = arith.index_cast %get3A_1228 : i32 to index
      %get3A_1230 = arith.constant 32 : index
      %get3A_1231 = tpu.vector_load %arg14[%get3A_1229, %get3A_1230] {strides = array<i32>} : memref<32x128xf32, #tpu.memory_space<vmem>>, vector<16xf32>,
      %mul3A_1232 = arith.mulf %get3A_1227, %get3A_1231 : vector<16xf32>
      %get3A_1233 = arith.constant 23 : i32
      %get3A_1234 = arith.index_cast %get3A_1233 : i32 to index
      %get3A_1235 = arith.constant 48 : index
      %get3A_1236 = tpu.vector_load %arg13[%get3A_1234, %get3A_1235] {strides = array<i32>} : memref<32x128xf32, #tpu.memory_space<vmem>>, vector<16xf32>,
      %get3A_1237 = arith.constant 23 : i32
      %get3A_1238 = arith.index_cast %get3A_1237 : i32 to index
      %get3A_1239 = arith.constant 48 : index
      %get3A_1240 = tpu.vector_load %arg14[%get3A_1238, %get3A_1239] {strides = array<i32>} : memref<32x128xf32, #tpu.memory_space<vmem>>, vector<16xf32>,
      %mul3A_1241 = arith.mulf %get3A_1236, %get3A_1240 : vector<16xf32>
      %add3A_1242 = arith.addf %mul3A_1232, %mul3A_1241 : vector<16xf32>
      %add3A_1243 = arith.addf %add3A_1223, %add3A_1242 : vector<16xf32>
      %eq3A_1244 = arith.constant 7 : i32
      %eq3A_1245 = vector.broadcast %eq3A_1244 : i32 to vector<16xi32>
      %eq3A_1246 = arith.cmpi eq, %iota3A, %eq3A_1245 : vector<16xi32>
      %reduce_sum3A_1247 = arith.constant true
      %reduce_sum3A_1248 = vector.broadcast %reduce_sum3A_1247 : i1 to vector<16xi1>
      %reduce_sum3A_1249 = tpu.scan <sum>, %add3A_1243 masked %reduce_sum3A_1248 : vector<16xf32>, vector<16xi1> -> vector<16xf32>
      %reduce_sum3A_1250 = vector.extract %reduce_sum3A_1249[15] : f32 from vector<16xf32>
      %add3A_1251 = vector.broadcast %reduce_sum3A_1250 : f32 to vector<16xf32>
      %add3A_1252 = arith.addf %select_n3A_1204, %add3A_1251 : vector<16xf32>
      %select_n3A_1253 = arith.select %eq3A_1246, %add3A_1252, %select_n3A_1204 : vector<16xi1>, vector<16xf32>
      %get3A_1254 = arith.constant 24 : i32
      %get3A_1255 = arith.index_cast %get3A_1254 : i32 to index
      %get3A_1256 = arith.constant 0 : index
      %get3A_1257 = tpu.vector_load %arg13[%get3A_1255, %get3A_1256] {strides = array<i32>} : memref<32x128xf32, #tpu.memory_space<vmem>>, vector<16xf32>,
      %get3A_1258 = arith.constant 24 : i32
      %get3A_1259 = arith.index_cast %get3A_1258 : i32 to index
      %get3A_1260 = arith.constant 0 : index
      %get3A_1261 = tpu.vector_load %arg14[%get3A_1259, %get3A_1260] {strides = array<i32>} : memref<32x128xf32, #tpu.memory_space<vmem>>, vector<16xf32>,
      %mul3A_1262 = arith.mulf %get3A_1257, %get3A_1261 : vector<16xf32>
      %get3A_1263 = arith.constant 24 : i32
      %get3A_1264 = arith.index_cast %get3A_1263 : i32 to index
      %get3A_1265 = arith.constant 16 : index
      %get3A_1266 = tpu.vector_load %arg13[%get3A_1264, %get3A_1265] {strides = array<i32>} : memref<32x128xf32, #tpu.memory_space<vmem>>, vector<16xf32>,
      %get3A_1267 = arith.constant 24 : i32
      %get3A_1268 = arith.index_cast %get3A_1267 : i32 to index
      %get3A_1269 = arith.constant 16 : index
      %get3A_1270 = tpu.vector_load %arg14[%get3A_1268, %get3A_1269] {strides = array<i32>} : memref<32x128xf32, #tpu.memory_space<vmem>>, vector<16xf32>,
      %mul3A_1271 = arith.mulf %get3A_1266, %get3A_1270 : vector<16xf32>
      %add3A_1272 = arith.addf %mul3A_1262, %mul3A_1271 : vector<16xf32>
      %get3A_1273 = arith.constant 24 : i32
      %get3A_1274 = arith.index_cast %get3A_1273 : i32 to index
      %get3A_1275 = arith.constant 32 : index
      %get3A_1276 = tpu.vector_load %arg13[%get3A_1274, %get3A_1275] {strides = array<i32>} : memref<32x128xf32, #tpu.memory_space<vmem>>, vector<16xf32>,
      %get3A_1277 = arith.constant 24 : i32
      %get3A_1278 = arith.index_cast %get3A_1277 : i32 to index
      %get3A_1279 = arith.constant 32 : index
      %get3A_1280 = tpu.vector_load %arg14[%get3A_1278, %get3A_1279] {strides = array<i32>} : memref<32x128xf32, #tpu.memory_space<vmem>>, vector<16xf32>,
      %mul3A_1281 = arith.mulf %get3A_1276, %get3A_1280 : vector<16xf32>
      %get3A_1282 = arith.constant 24 : i32
      %get3A_1283 = arith.index_cast %get3A_1282 : i32 to index
      %get3A_1284 = arith.constant 48 : index
      %get3A_1285 = tpu.vector_load %arg13[%get3A_1283, %get3A_1284] {strides = array<i32>} : memref<32x128xf32, #tpu.memory_space<vmem>>, vector<16xf32>,
      %get3A_1286 = arith.constant 24 : i32
      %get3A_1287 = arith.index_cast %get3A_1286 : i32 to index
      %get3A_1288 = arith.constant 48 : index
      %get3A_1289 = tpu.vector_load %arg14[%get3A_1287, %get3A_1288] {strides = array<i32>} : memref<32x128xf32, #tpu.memory_space<vmem>>, vector<16xf32>,
      %mul3A_1290 = arith.mulf %get3A_1285, %get3A_1289 : vector<16xf32>
      %add3A_1291 = arith.addf %mul3A_1281, %mul3A_1290 : vector<16xf32>
      %add3A_1292 = arith.addf %add3A_1272, %add3A_1291 : vector<16xf32>
      %eq3A_1293 = arith.constant 8 : i32
      %eq3A_1294 = vector.broadcast %eq3A_1293 : i32 to vector<16xi32>
      %eq3A_1295 = arith.cmpi eq, %iota3A, %eq3A_1294 : vector<16xi32>
      %reduce_sum3A_1296 = arith.constant true
      %reduce_sum3A_1297 = vector.broadcast %reduce_sum3A_1296 : i1 to vector<16xi1>
      %reduce_sum3A_1298 = tpu.scan <sum>, %add3A_1292 masked %reduce_sum3A_1297 : vector<16xf32>, vector<16xi1> -> vector<16xf32>
      %reduce_sum3A_1299 = vector.extract %reduce_sum3A_1298[15] : f32 from vector<16xf32>
      %add3A_1300 = vector.broadcast %reduce_sum3A_1299 : f32 to vector<16xf32>
      %add3A_1301 = arith.addf %select_n3A_1253, %add3A_1300 : vector<16xf32>
      %select_n3A_1302 = arith.select %eq3A_1295, %add3A_1301, %select_n3A_1253 : vector<16xi1>, vector<16xf32>
      %get3A_1303 = arith.constant 25 : i32
      %get3A_1304 = arith.index_cast %get3A_1303 : i32 to index
      %get3A_1305 = arith.constant 0 : index
      %get3A_1306 = tpu.vector_load %arg13[%get3A_1304, %get3A_1305] {strides = array<i32>} : memref<32x128xf32, #tpu.memory_space<vmem>>, vector<16xf32>,
      %get3A_1307 = arith.constant 25 : i32
      %get3A_1308 = arith.index_cast %get3A_1307 : i32 to index
      %get3A_1309 = arith.constant 0 : index
      %get3A_1310 = tpu.vector_load %arg14[%get3A_1308, %get3A_1309] {strides = array<i32>} : memref<32x128xf32, #tpu.memory_space<vmem>>, vector<16xf32>,
      %mul3A_1311 = arith.mulf %get3A_1306, %get3A_1310 : vector<16xf32>
      %get3A_1312 = arith.constant 25 : i32
      %get3A_1313 = arith.index_cast %get3A_1312 : i32 to index
      %get3A_1314 = arith.constant 16 : index
      %get3A_1315 = tpu.vector_load %arg13[%get3A_1313, %get3A_1314] {strides = array<i32>} : memref<32x128xf32, #tpu.memory_space<vmem>>, vector<16xf32>,
      %get3A_1316 = arith.constant 25 : i32
      %get3A_1317 = arith.index_cast %get3A_1316 : i32 to index
      %get3A_1318 = arith.constant 16 : index
      %get3A_1319 = tpu.vector_load %arg14[%get3A_1317, %get3A_1318] {strides = array<i32>} : memref<32x128xf32, #tpu.memory_space<vmem>>, vector<16xf32>,
      %mul3A_1320 = arith.mulf %get3A_1315, %get3A_1319 : vector<16xf32>
      %add3A_1321 = arith.addf %mul3A_1311, %mul3A_1320 : vector<16xf32>
      %get3A_1322 = arith.constant 25 : i32
      %get3A_1323 = arith.index_cast %get3A_1322 : i32 to index
      %get3A_1324 = arith.constant 32 : index
      %get3A_1325 = tpu.vector_load %arg13[%get3A_1323, %get3A_1324] {strides = array<i32>} : memref<32x128xf32, #tpu.memory_space<vmem>>, vector<16xf32>,
      %get3A_1326 = arith.constant 25 : i32
      %get3A_1327 = arith.index_cast %get3A_1326 : i32 to index
      %get3A_1328 = arith.constant 32 : index
      %get3A_1329 = tpu.vector_load %arg14[%get3A_1327, %get3A_1328] {strides = array<i32>} : memref<32x128xf32, #tpu.memory_space<vmem>>, vector<16xf32>,
      %mul3A_1330 = arith.mulf %get3A_1325, %get3A_1329 : vector<16xf32>
      %get3A_1331 = arith.constant 25 : i32
      %get3A_1332 = arith.index_cast %get3A_1331 : i32 to index
      %get3A_1333 = arith.constant 48 : index
      %get3A_1334 = tpu.vector_load %arg13[%get3A_1332, %get3A_1333] {strides = array<i32>} : memref<32x128xf32, #tpu.memory_space<vmem>>, vector<16xf32>,
      %get3A_1335 = arith.constant 25 : i32
      %get3A_1336 = arith.index_cast %get3A_1335 : i32 to index
      %get3A_1337 = arith.constant 48 : index
      %get3A_1338 = tpu.vector_load %arg14[%get3A_1336, %get3A_1337] {strides = array<i32>} : memref<32x128xf32, #tpu.memory_space<vmem>>, vector<16xf32>,
      %mul3A_1339 = arith.mulf %get3A_1334, %get3A_1338 : vector<16xf32>
      %add3A_1340 = arith.addf %mul3A_1330, %mul3A_1339 : vector<16xf32>
      %add3A_1341 = arith.addf %add3A_1321, %add3A_1340 : vector<16xf32>
      %eq3A_1342 = arith.constant 9 : i32
      %eq3A_1343 = vector.broadcast %eq3A_1342 : i32 to vector<16xi32>
      %eq3A_1344 = arith.cmpi eq, %iota3A, %eq3A_1343 : vector<16xi32>
      %reduce_sum3A_1345 = arith.constant true
      %reduce_sum3A_1346 = vector.broadcast %reduce_sum3A_1345 : i1 to vector<16xi1>
      %reduce_sum3A_1347 = tpu.scan <sum>, %add3A_1341 masked %reduce_sum3A_1346 : vector<16xf32>, vector<16xi1> -> vector<16xf32>
      %reduce_sum3A_1348 = vector.extract %reduce_sum3A_1347[15] : f32 from vector<16xf32>
      %add3A_1349 = vector.broadcast %reduce_sum3A_1348 : f32 to vector<16xf32>
      %add3A_1350 = arith.addf %select_n3A_1302, %add3A_1349 : vector<16xf32>
      %select_n3A_1351 = arith.select %eq3A_1344, %add3A_1350, %select_n3A_1302 : vector<16xi1>, vector<16xf32>
      %get3A_1352 = arith.constant 26 : i32
      %get3A_1353 = arith.index_cast %get3A_1352 : i32 to index
      %get3A_1354 = arith.constant 0 : index
      %get3A_1355 = tpu.vector_load %arg13[%get3A_1353, %get3A_1354] {strides = array<i32>} : memref<32x128xf32, #tpu.memory_space<vmem>>, vector<16xf32>,
      %get3A_1356 = arith.constant 26 : i32
      %get3A_1357 = arith.index_cast %get3A_1356 : i32 to index
      %get3A_1358 = arith.constant 0 : index
      %get3A_1359 = tpu.vector_load %arg14[%get3A_1357, %get3A_1358] {strides = array<i32>} : memref<32x128xf32, #tpu.memory_space<vmem>>, vector<16xf32>,
      %mul3A_1360 = arith.mulf %get3A_1355, %get3A_1359 : vector<16xf32>
      %get3A_1361 = arith.constant 26 : i32
      %get3A_1362 = arith.index_cast %get3A_1361 : i32 to index
      %get3A_1363 = arith.constant 16 : index
      %get3A_1364 = tpu.vector_load %arg13[%get3A_1362, %get3A_1363] {strides = array<i32>} : memref<32x128xf32, #tpu.memory_space<vmem>>, vector<16xf32>,
      %get3A_1365 = arith.constant 26 : i32
      %get3A_1366 = arith.index_cast %get3A_1365 : i32 to index
      %get3A_1367 = arith.constant 16 : index
      %get3A_1368 = tpu.vector_load %arg14[%get3A_1366, %get3A_1367] {strides = array<i32>} : memref<32x128xf32, #tpu.memory_space<vmem>>, vector<16xf32>,
      %mul3A_1369 = arith.mulf %get3A_1364, %get3A_1368 : vector<16xf32>
      %add3A_1370 = arith.addf %mul3A_1360, %mul3A_1369 : vector<16xf32>
      %get3A_1371 = arith.constant 26 : i32
      %get3A_1372 = arith.index_cast %get3A_1371 : i32 to index
      %get3A_1373 = arith.constant 32 : index
      %get3A_1374 = tpu.vector_load %arg13[%get3A_1372, %get3A_1373] {strides = array<i32>} : memref<32x128xf32, #tpu.memory_space<vmem>>, vector<16xf32>,
      %get3A_1375 = arith.constant 26 : i32
      %get3A_1376 = arith.index_cast %get3A_1375 : i32 to index
      %get3A_1377 = arith.constant 32 : index
      %get3A_1378 = tpu.vector_load %arg14[%get3A_1376, %get3A_1377] {strides = array<i32>} : memref<32x128xf32, #tpu.memory_space<vmem>>, vector<16xf32>,
      %mul3A_1379 = arith.mulf %get3A_1374, %get3A_1378 : vector<16xf32>
      %get3A_1380 = arith.constant 26 : i32
      %get3A_1381 = arith.index_cast %get3A_1380 : i32 to index
      %get3A_1382 = arith.constant 48 : index
      %get3A_1383 = tpu.vector_load %arg13[%get3A_1381, %get3A_1382] {strides = array<i32>} : memref<32x128xf32, #tpu.memory_space<vmem>>, vector<16xf32>,
      %get3A_1384 = arith.constant 26 : i32
      %get3A_1385 = arith.index_cast %get3A_1384 : i32 to index
      %get3A_1386 = arith.constant 48 : index
      %get3A_1387 = tpu.vector_load %arg14[%get3A_1385, %get3A_1386] {strides = array<i32>} : memref<32x128xf32, #tpu.memory_space<vmem>>, vector<16xf32>,
      %mul3A_1388 = arith.mulf %get3A_1383, %get3A_1387 : vector<16xf32>
      %add3A_1389 = arith.addf %mul3A_1379, %mul3A_1388 : vector<16xf32>
      %add3A_1390 = arith.addf %add3A_1370, %add3A_1389 : vector<16xf32>
      %eq3A_1391 = arith.constant 10 : i32
      %eq3A_1392 = vector.broadcast %eq3A_1391 : i32 to vector<16xi32>
      %eq3A_1393 = arith.cmpi eq, %iota3A, %eq3A_1392 : vector<16xi32>
      %reduce_sum3A_1394 = arith.constant true
      %reduce_sum3A_1395 = vector.broadcast %reduce_sum3A_1394 : i1 to vector<16xi1>
      %reduce_sum3A_1396 = tpu.scan <sum>, %add3A_1390 masked %reduce_sum3A_1395 : vector<16xf32>, vector<16xi1> -> vector<16xf32>
      %reduce_sum3A_1397 = vector.extract %reduce_sum3A_1396[15] : f32 from vector<16xf32>
      %add3A_1398 = vector.broadcast %reduce_sum3A_1397 : f32 to vector<16xf32>
      %add3A_1399 = arith.addf %select_n3A_1351, %add3A_1398 : vector<16xf32>
      %select_n3A_1400 = arith.select %eq3A_1393, %add3A_1399, %select_n3A_1351 : vector<16xi1>, vector<16xf32>
      %get3A_1401 = arith.constant 27 : i32
      %get3A_1402 = arith.index_cast %get3A_1401 : i32 to index
      %get3A_1403 = arith.constant 0 : index
      %get3A_1404 = tpu.vector_load %arg13[%get3A_1402, %get3A_1403] {strides = array<i32>} : memref<32x128xf32, #tpu.memory_space<vmem>>, vector<16xf32>,
      %get3A_1405 = arith.constant 27 : i32
      %get3A_1406 = arith.index_cast %get3A_1405 : i32 to index
      %get3A_1407 = arith.constant 0 : index
      %get3A_1408 = tpu.vector_load %arg14[%get3A_1406, %get3A_1407] {strides = array<i32>} : memref<32x128xf32, #tpu.memory_space<vmem>>, vector<16xf32>,
      %mul3A_1409 = arith.mulf %get3A_1404, %get3A_1408 : vector<16xf32>
      %get3A_1410 = arith.constant 27 : i32
      %get3A_1411 = arith.index_cast %get3A_1410 : i32 to index
      %get3A_1412 = arith.constant 16 : index
      %get3A_1413 = tpu.vector_load %arg13[%get3A_1411, %get3A_1412] {strides = array<i32>} : memref<32x128xf32, #tpu.memory_space<vmem>>, vector<16xf32>,
      %get3A_1414 = arith.constant 27 : i32
      %get3A_1415 = arith.index_cast %get3A_1414 : i32 to index
      %get3A_1416 = arith.constant 16 : index
      %get3A_1417 = tpu.vector_load %arg14[%get3A_1415, %get3A_1416] {strides = array<i32>} : memref<32x128xf32, #tpu.memory_space<vmem>>, vector<16xf32>,
      %mul3A_1418 = arith.mulf %get3A_1413, %get3A_1417 : vector<16xf32>
      %add3A_1419 = arith.addf %mul3A_1409, %mul3A_1418 : vector<16xf32>
      %get3A_1420 = arith.constant 27 : i32
      %get3A_1421 = arith.index_cast %get3A_1420 : i32 to index
      %get3A_1422 = arith.constant 32 : index
      %get3A_1423 = tpu.vector_load %arg13[%get3A_1421, %get3A_1422] {strides = array<i32>} : memref<32x128xf32, #tpu.memory_space<vmem>>, vector<16xf32>,
      %get3A_1424 = arith.constant 27 : i32
      %get3A_1425 = arith.index_cast %get3A_1424 : i32 to index
      %get3A_1426 = arith.constant 32 : index
      %get3A_1427 = tpu.vector_load %arg14[%get3A_1425, %get3A_1426] {strides = array<i32>} : memref<32x128xf32, #tpu.memory_space<vmem>>, vector<16xf32>,
      %mul3A_1428 = arith.mulf %get3A_1423, %get3A_1427 : vector<16xf32>
      %get3A_1429 = arith.constant 27 : i32
      %get3A_1430 = arith.index_cast %get3A_1429 : i32 to index
      %get3A_1431 = arith.constant 48 : index
      %get3A_1432 = tpu.vector_load %arg13[%get3A_1430, %get3A_1431] {strides = array<i32>} : memref<32x128xf32, #tpu.memory_space<vmem>>, vector<16xf32>,
      %get3A_1433 = arith.constant 27 : i32
      %get3A_1434 = arith.index_cast %get3A_1433 : i32 to index
      %get3A_1435 = arith.constant 48 : index
      %get3A_1436 = tpu.vector_load %arg14[%get3A_1434, %get3A_1435] {strides = array<i32>} : memref<32x128xf32, #tpu.memory_space<vmem>>, vector<16xf32>,
      %mul3A_1437 = arith.mulf %get3A_1432, %get3A_1436 : vector<16xf32>
      %add3A_1438 = arith.addf %mul3A_1428, %mul3A_1437 : vector<16xf32>
      %add3A_1439 = arith.addf %add3A_1419, %add3A_1438 : vector<16xf32>
      %eq3A_1440 = arith.constant 11 : i32
      %eq3A_1441 = vector.broadcast %eq3A_1440 : i32 to vector<16xi32>
      %eq3A_1442 = arith.cmpi eq, %iota3A, %eq3A_1441 : vector<16xi32>
      %reduce_sum3A_1443 = arith.constant true
      %reduce_sum3A_1444 = vector.broadcast %reduce_sum3A_1443 : i1 to vector<16xi1>
      %reduce_sum3A_1445 = tpu.scan <sum>, %add3A_1439 masked %reduce_sum3A_1444 : vector<16xf32>, vector<16xi1> -> vector<16xf32>
      %reduce_sum3A_1446 = vector.extract %reduce_sum3A_1445[15] : f32 from vector<16xf32>
      %add3A_1447 = vector.broadcast %reduce_sum3A_1446 : f32 to vector<16xf32>
      %add3A_1448 = arith.addf %select_n3A_1400, %add3A_1447 : vector<16xf32>
      %select_n3A_1449 = arith.select %eq3A_1442, %add3A_1448, %select_n3A_1400 : vector<16xi1>, vector<16xf32>
      %get3A_1450 = arith.constant 28 : i32
      %get3A_1451 = arith.index_cast %get3A_1450 : i32 to index
      %get3A_1452 = arith.constant 0 : index
      %get3A_1453 = tpu.vector_load %arg13[%get3A_1451, %get3A_1452] {strides = array<i32>} : memref<32x128xf32, #tpu.memory_space<vmem>>, vector<16xf32>,
      %get3A_1454 = arith.constant 28 : i32
      %get3A_1455 = arith.index_cast %get3A_1454 : i32 to index
      %get3A_1456 = arith.constant 0 : index
      %get3A_1457 = tpu.vector_load %arg14[%get3A_1455, %get3A_1456] {strides = array<i32>} : memref<32x128xf32, #tpu.memory_space<vmem>>, vector<16xf32>,
      %mul3A_1458 = arith.mulf %get3A_1453, %get3A_1457 : vector<16xf32>
      %get3A_1459 = arith.constant 28 : i32
      %get3A_1460 = arith.index_cast %get3A_1459 : i32 to index
      %get3A_1461 = arith.constant 16 : index
      %get3A_1462 = tpu.vector_load %arg13[%get3A_1460, %get3A_1461] {strides = array<i32>} : memref<32x128xf32, #tpu.memory_space<vmem>>, vector<16xf32>,
      %get3A_1463 = arith.constant 28 : i32
      %get3A_1464 = arith.index_cast %get3A_1463 : i32 to index
      %get3A_1465 = arith.constant 16 : index
      %get3A_1466 = tpu.vector_load %arg14[%get3A_1464, %get3A_1465] {strides = array<i32>} : memref<32x128xf32, #tpu.memory_space<vmem>>, vector<16xf32>,
      %mul3A_1467 = arith.mulf %get3A_1462, %get3A_1466 : vector<16xf32>
      %add3A_1468 = arith.addf %mul3A_1458, %mul3A_1467 : vector<16xf32>
      %get3A_1469 = arith.constant 28 : i32
      %get3A_1470 = arith.index_cast %get3A_1469 : i32 to index
      %get3A_1471 = arith.constant 32 : index
      %get3A_1472 = tpu.vector_load %arg13[%get3A_1470, %get3A_1471] {strides = array<i32>} : memref<32x128xf32, #tpu.memory_space<vmem>>, vector<16xf32>,
      %get3A_1473 = arith.constant 28 : i32
      %get3A_1474 = arith.index_cast %get3A_1473 : i32 to index
      %get3A_1475 = arith.constant 32 : index
      %get3A_1476 = tpu.vector_load %arg14[%get3A_1474, %get3A_1475] {strides = array<i32>} : memref<32x128xf32, #tpu.memory_space<vmem>>, vector<16xf32>,
      %mul3A_1477 = arith.mulf %get3A_1472, %get3A_1476 : vector<16xf32>
      %get3A_1478 = arith.constant 28 : i32
      %get3A_1479 = arith.index_cast %get3A_1478 : i32 to index
      %get3A_1480 = arith.constant 48 : index
      %get3A_1481 = tpu.vector_load %arg13[%get3A_1479, %get3A_1480] {strides = array<i32>} : memref<32x128xf32, #tpu.memory_space<vmem>>, vector<16xf32>,
      %get3A_1482 = arith.constant 28 : i32
      %get3A_1483 = arith.index_cast %get3A_1482 : i32 to index
      %get3A_1484 = arith.constant 48 : index
      %get3A_1485 = tpu.vector_load %arg14[%get3A_1483, %get3A_1484] {strides = array<i32>} : memref<32x128xf32, #tpu.memory_space<vmem>>, vector<16xf32>,
      %mul3A_1486 = arith.mulf %get3A_1481, %get3A_1485 : vector<16xf32>
      %add3A_1487 = arith.addf %mul3A_1477, %mul3A_1486 : vector<16xf32>
      %add3A_1488 = arith.addf %add3A_1468, %add3A_1487 : vector<16xf32>
      %eq3A_1489 = arith.constant 12 : i32
      %eq3A_1490 = vector.broadcast %eq3A_1489 : i32 to vector<16xi32>
      %eq3A_1491 = arith.cmpi eq, %iota3A, %eq3A_1490 : vector<16xi32>
      %reduce_sum3A_1492 = arith.constant true
      %reduce_sum3A_1493 = vector.broadcast %reduce_sum3A_1492 : i1 to vector<16xi1>
      %reduce_sum3A_1494 = tpu.scan <sum>, %add3A_1488 masked %reduce_sum3A_1493 : vector<16xf32>, vector<16xi1> -> vector<16xf32>
      %reduce_sum3A_1495 = vector.extract %reduce_sum3A_1494[15] : f32 from vector<16xf32>
      %add3A_1496 = vector.broadcast %reduce_sum3A_1495 : f32 to vector<16xf32>
      %add3A_1497 = arith.addf %select_n3A_1449, %add3A_1496 : vector<16xf32>
      %select_n3A_1498 = arith.select %eq3A_1491, %add3A_1497, %select_n3A_1449 : vector<16xi1>, vector<16xf32>
      %get3A_1499 = arith.constant 29 : i32
      %get3A_1500 = arith.index_cast %get3A_1499 : i32 to index
      %get3A_1501 = arith.constant 0 : index
      %get3A_1502 = tpu.vector_load %arg13[%get3A_1500, %get3A_1501] {strides = array<i32>} : memref<32x128xf32, #tpu.memory_space<vmem>>, vector<16xf32>,
      %get3A_1503 = arith.constant 29 : i32
      %get3A_1504 = arith.index_cast %get3A_1503 : i32 to index
      %get3A_1505 = arith.constant 0 : index
      %get3A_1506 = tpu.vector_load %arg14[%get3A_1504, %get3A_1505] {strides = array<i32>} : memref<32x128xf32, #tpu.memory_space<vmem>>, vector<16xf32>,
      %mul3A_1507 = arith.mulf %get3A_1502, %get3A_1506 : vector<16xf32>
      %get3A_1508 = arith.constant 29 : i32
      %get3A_1509 = arith.index_cast %get3A_1508 : i32 to index
      %get3A_1510 = arith.constant 16 : index
      %get3A_1511 = tpu.vector_load %arg13[%get3A_1509, %get3A_1510] {strides = array<i32>} : memref<32x128xf32, #tpu.memory_space<vmem>>, vector<16xf32>,
      %get3A_1512 = arith.constant 29 : i32
      %get3A_1513 = arith.index_cast %get3A_1512 : i32 to index
      %get3A_1514 = arith.constant 16 : index
      %get3A_1515 = tpu.vector_load %arg14[%get3A_1513, %get3A_1514] {strides = array<i32>} : memref<32x128xf32, #tpu.memory_space<vmem>>, vector<16xf32>,
      %mul3A_1516 = arith.mulf %get3A_1511, %get3A_1515 : vector<16xf32>
      %add3A_1517 = arith.addf %mul3A_1507, %mul3A_1516 : vector<16xf32>
      %get3A_1518 = arith.constant 29 : i32
      %get3A_1519 = arith.index_cast %get3A_1518 : i32 to index
      %get3A_1520 = arith.constant 32 : index
      %get3A_1521 = tpu.vector_load %arg13[%get3A_1519, %get3A_1520] {strides = array<i32>} : memref<32x128xf32, #tpu.memory_space<vmem>>, vector<16xf32>,
      %get3A_1522 = arith.constant 29 : i32
      %get3A_1523 = arith.index_cast %get3A_1522 : i32 to index
      %get3A_1524 = arith.constant 32 : index
      %get3A_1525 = tpu.vector_load %arg14[%get3A_1523, %get3A_1524] {strides = array<i32>} : memref<32x128xf32, #tpu.memory_space<vmem>>, vector<16xf32>,
      %mul3A_1526 = arith.mulf %get3A_1521, %get3A_1525 : vector<16xf32>
      %get3A_1527 = arith.constant 29 : i32
      %get3A_1528 = arith.index_cast %get3A_1527 : i32 to index
      %get3A_1529 = arith.constant 48 : index
      %get3A_1530 = tpu.vector_load %arg13[%get3A_1528, %get3A_1529] {strides = array<i32>} : memref<32x128xf32, #tpu.memory_space<vmem>>, vector<16xf32>,
      %get3A_1531 = arith.constant 29 : i32
      %get3A_1532 = arith.index_cast %get3A_1531 : i32 to index
      %get3A_1533 = arith.constant 48 : index
      %get3A_1534 = tpu.vector_load %arg14[%get3A_1532, %get3A_1533] {strides = array<i32>} : memref<32x128xf32, #tpu.memory_space<vmem>>, vector<16xf32>,
      %mul3A_1535 = arith.mulf %get3A_1530, %get3A_1534 : vector<16xf32>
      %add3A_1536 = arith.addf %mul3A_1526, %mul3A_1535 : vector<16xf32>
      %add3A_1537 = arith.addf %add3A_1517, %add3A_1536 : vector<16xf32>
      %eq3A_1538 = arith.constant 13 : i32
      %eq3A_1539 = vector.broadcast %eq3A_1538 : i32 to vector<16xi32>
      %eq3A_1540 = arith.cmpi eq, %iota3A, %eq3A_1539 : vector<16xi32>
      %reduce_sum3A_1541 = arith.constant true
      %reduce_sum3A_1542 = vector.broadcast %reduce_sum3A_1541 : i1 to vector<16xi1>
      %reduce_sum3A_1543 = tpu.scan <sum>, %add3A_1537 masked %reduce_sum3A_1542 : vector<16xf32>, vector<16xi1> -> vector<16xf32>
      %reduce_sum3A_1544 = vector.extract %reduce_sum3A_1543[15] : f32 from vector<16xf32>
      %add3A_1545 = vector.broadcast %reduce_sum3A_1544 : f32 to vector<16xf32>
      %add3A_1546 = arith.addf %select_n3A_1498, %add3A_1545 : vector<16xf32>
      %select_n3A_1547 = arith.select %eq3A_1540, %add3A_1546, %select_n3A_1498 : vector<16xi1>, vector<16xf32>
      %get3A_1548 = arith.constant 30 : i32
      %get3A_1549 = arith.index_cast %get3A_1548 : i32 to index
      %get3A_1550 = arith.constant 0 : index
      %get3A_1551 = tpu.vector_load %arg13[%get3A_1549, %get3A_1550] {strides = array<i32>} : memref<32x128xf32, #tpu.memory_space<vmem>>, vector<16xf32>,
      %get3A_1552 = arith.constant 30 : i32
      %get3A_1553 = arith.index_cast %get3A_1552 : i32 to index
      %get3A_1554 = arith.constant 0 : index
      %get3A_1555 = tpu.vector_load %arg14[%get3A_1553, %get3A_1554] {strides = array<i32>} : memref<32x128xf32, #tpu.memory_space<vmem>>, vector<16xf32>,
      %mul3A_1556 = arith.mulf %get3A_1551, %get3A_1555 : vector<16xf32>
      %get3A_1557 = arith.constant 30 : i32
      %get3A_1558 = arith.index_cast %get3A_1557 : i32 to index
      %get3A_1559 = arith.constant 16 : index
      %get3A_1560 = tpu.vector_load %arg13[%get3A_1558, %get3A_1559] {strides = array<i32>} : memref<32x128xf32, #tpu.memory_space<vmem>>, vector<16xf32>,
      %get3A_1561 = arith.constant 30 : i32
      %get3A_1562 = arith.index_cast %get3A_1561 : i32 to index
      %get3A_1563 = arith.constant 16 : index
      %get3A_1564 = tpu.vector_load %arg14[%get3A_1562, %get3A_1563] {strides = array<i32>} : memref<32x128xf32, #tpu.memory_space<vmem>>, vector<16xf32>,
      %mul3A_1565 = arith.mulf %get3A_1560, %get3A_1564 : vector<16xf32>
      %add3A_1566 = arith.addf %mul3A_1556, %mul3A_1565 : vector<16xf32>
      %get3A_1567 = arith.constant 30 : i32
      %get3A_1568 = arith.index_cast %get3A_1567 : i32 to index
      %get3A_1569 = arith.constant 32 : index
      %get3A_1570 = tpu.vector_load %arg13[%get3A_1568, %get3A_1569] {strides = array<i32>} : memref<32x128xf32, #tpu.memory_space<vmem>>, vector<16xf32>,
      %get3A_1571 = arith.constant 30 : i32
      %get3A_1572 = arith.index_cast %get3A_1571 : i32 to index
      %get3A_1573 = arith.constant 32 : index
      %get3A_1574 = tpu.vector_load %arg14[%get3A_1572, %get3A_1573] {strides = array<i32>} : memref<32x128xf32, #tpu.memory_space<vmem>>, vector<16xf32>,
      %mul3A_1575 = arith.mulf %get3A_1570, %get3A_1574 : vector<16xf32>
      %get3A_1576 = arith.constant 30 : i32
      %get3A_1577 = arith.index_cast %get3A_1576 : i32 to index
      %get3A_1578 = arith.constant 48 : index
      %get3A_1579 = tpu.vector_load %arg13[%get3A_1577, %get3A_1578] {strides = array<i32>} : memref<32x128xf32, #tpu.memory_space<vmem>>, vector<16xf32>,
      %get3A_1580 = arith.constant 30 : i32
      %get3A_1581 = arith.index_cast %get3A_1580 : i32 to index
      %get3A_1582 = arith.constant 48 : index
      %get3A_1583 = tpu.vector_load %arg14[%get3A_1581, %get3A_1582] {strides = array<i32>} : memref<32x128xf32, #tpu.memory_space<vmem>>, vector<16xf32>,
      %mul3A_1584 = arith.mulf %get3A_1579, %get3A_1583 : vector<16xf32>
      %add3A_1585 = arith.addf %mul3A_1575, %mul3A_1584 : vector<16xf32>
      %add3A_1586 = arith.addf %add3A_1566, %add3A_1585 : vector<16xf32>
      %eq3A_1587 = arith.constant 14 : i32
      %eq3A_1588 = vector.broadcast %eq3A_1587 : i32 to vector<16xi32>
      %eq3A_1589 = arith.cmpi eq, %iota3A, %eq3A_1588 : vector<16xi32>
      %reduce_sum3A_1590 = arith.constant true
      %reduce_sum3A_1591 = vector.broadcast %reduce_sum3A_1590 : i1 to vector<16xi1>
      %reduce_sum3A_1592 = tpu.scan <sum>, %add3A_1586 masked %reduce_sum3A_1591 : vector<16xf32>, vector<16xi1> -> vector<16xf32>
      %reduce_sum3A_1593 = vector.extract %reduce_sum3A_1592[15] : f32 from vector<16xf32>
      %add3A_1594 = vector.broadcast %reduce_sum3A_1593 : f32 to vector<16xf32>
      %add3A_1595 = arith.addf %select_n3A_1547, %add3A_1594 : vector<16xf32>
      %select_n3A_1596 = arith.select %eq3A_1589, %add3A_1595, %select_n3A_1547 : vector<16xi1>, vector<16xf32>
      %get3A_1597 = arith.constant 31 : i32
      %get3A_1598 = arith.index_cast %get3A_1597 : i32 to index
      %get3A_1599 = arith.constant 0 : index
      %get3A_1600 = tpu.vector_load %arg13[%get3A_1598, %get3A_1599] {strides = array<i32>} : memref<32x128xf32, #tpu.memory_space<vmem>>, vector<16xf32>,
      %get3A_1601 = arith.constant 31 : i32
      %get3A_1602 = arith.index_cast %get3A_1601 : i32 to index
      %get3A_1603 = arith.constant 0 : index
      %get3A_1604 = tpu.vector_load %arg14[%get3A_1602, %get3A_1603] {strides = array<i32>} : memref<32x128xf32, #tpu.memory_space<vmem>>, vector<16xf32>,
      %mul3A_1605 = arith.mulf %get3A_1600, %get3A_1604 : vector<16xf32>
      %get3A_1606 = arith.constant 31 : i32
      %get3A_1607 = arith.index_cast %get3A_1606 : i32 to index
      %get3A_1608 = arith.constant 16 : index
      %get3A_1609 = tpu.vector_load %arg13[%get3A_1607, %get3A_1608] {strides = array<i32>} : memref<32x128xf32, #tpu.memory_space<vmem>>, vector<16xf32>,
      %get3A_1610 = arith.constant 31 : i32
      %get3A_1611 = arith.index_cast %get3A_1610 : i32 to index
      %get3A_1612 = arith.constant 16 : index
      %get3A_1613 = tpu.vector_load %arg14[%get3A_1611, %get3A_1612] {strides = array<i32>} : memref<32x128xf32, #tpu.memory_space<vmem>>, vector<16xf32>,
      %mul3A_1614 = arith.mulf %get3A_1609, %get3A_1613 : vector<16xf32>
      %add3A_1615 = arith.addf %mul3A_1605, %mul3A_1614 : vector<16xf32>
      %get3A_1616 = arith.constant 31 : i32
      %get3A_1617 = arith.index_cast %get3A_1616 : i32 to index
      %get3A_1618 = arith.constant 32 : index
      %get3A_1619 = tpu.vector_load %arg13[%get3A_1617, %get3A_1618] {strides = array<i32>} : memref<32x128xf32, #tpu.memory_space<vmem>>, vector<16xf32>,
      %get3A_1620 = arith.constant 31 : i32
      %get3A_1621 = arith.index_cast %get3A_1620 : i32 to index
      %get3A_1622 = arith.constant 32 : index
      %get3A_1623 = tpu.vector_load %arg14[%get3A_1621, %get3A_1622] {strides = array<i32>} : memref<32x128xf32, #tpu.memory_space<vmem>>, vector<16xf32>,
      %mul3A_1624 = arith.mulf %get3A_1619, %get3A_1623 : vector<16xf32>
      %get3A_1625 = arith.constant 31 : i32
      %get3A_1626 = arith.index_cast %get3A_1625 : i32 to index
      %get3A_1627 = arith.constant 48 : index
      %get3A_1628 = tpu.vector_load %arg13[%get3A_1626, %get3A_1627] {strides = array<i32>} : memref<32x128xf32, #tpu.memory_space<vmem>>, vector<16xf32>,
      %get3A_1629 = arith.constant 31 : i32
      %get3A_1630 = arith.index_cast %get3A_1629 : i32 to index
      %get3A_1631 = arith.constant 48 : index
      %get3A_1632 = tpu.vector_load %arg14[%get3A_1630, %get3A_1631] {strides = array<i32>} : memref<32x128xf32, #tpu.memory_space<vmem>>, vector<16xf32>,
      %mul3A_1633 = arith.mulf %get3A_1628, %get3A_1632 : vector<16xf32>
      %add3A_1634 = arith.addf %mul3A_1624, %mul3A_1633 : vector<16xf32>
      %add3A_1635 = arith.addf %add3A_1615, %add3A_1634 : vector<16xf32>
      %eq3A_1636 = arith.constant 15 : i32
      %eq3A_1637 = vector.broadcast %eq3A_1636 : i32 to vector<16xi32>
      %eq3A_1638 = arith.cmpi eq, %iota3A, %eq3A_1637 : vector<16xi32>
      %reduce_sum3A_1639 = arith.constant true
      %reduce_sum3A_1640 = vector.broadcast %reduce_sum3A_1639 : i1 to vector<16xi1>
      %reduce_sum3A_1641 = tpu.scan <sum>, %add3A_1635 masked %reduce_sum3A_1640 : vector<16xf32>, vector<16xi1> -> vector<16xf32>
      %reduce_sum3A_1642 = vector.extract %reduce_sum3A_1641[15] : f32 from vector<16xf32>
      %add3A_1643 = vector.broadcast %reduce_sum3A_1642 : f32 to vector<16xf32>
      %add3A_1644 = arith.addf %select_n3A_1596, %add3A_1643 : vector<16xf32>
      %select_n3A_1645 = arith.select %eq3A_1638, %add3A_1644, %select_n3A_1596 : vector<16xi1>, vector<16xf32>
      %swap3A_1646 = arith.index_cast %add3A_845 : i32 to index
      %swap3A_1647 = tpu.vector_load %arg17[%swap3A_1646] {strides = array<i32>} : memref<512xf32, #tpu.memory_space<vmem>>, vector<16xf32>,
      tpu.vector_store %arg17[%swap3A_1646], %select_n3A_1645 {strides = array<i32>} : memref<512xf32, #tpu.memory_space<vmem>>, vector<16xf32>,
    }
    %scan3A_13 = arith.constant 16 : i32
    "tpu.region"() ({
      %run_scoped3A = tpu.sem_alloc : memref<!tpu.dma_semaphore, #tpu.memory_space<semaphore_mem>>
      %dma_start3A = tpu.memref_slice %arg8[%mul3A_2] : memref<16384xf32, #tpu.memory_space<hbm>> -> memref<512xf32, #tpu.memory_space<hbm>>
      %dma_start3A_14 = tpu.memref_slice %arg8[%mul3A_2] : memref<16384xf32, #tpu.memory_space<hbm>> -> memref<512xf32, #tpu.memory_space<hbm>>
      tpu.enqueue_dma source(%arg17 : memref<512xf32, #tpu.memory_space<vmem>>) target(%dma_start3A_14 : memref<512xf32, #tpu.memory_space<hbm>>) target_semaphore(%run_scoped3A : memref<!tpu.dma_semaphore, #tpu.memory_space<semaphore_mem>>)
      %dma_wait3A = tpu.memref_slice %arg8[%mul3A_2] : memref<16384xf32, #tpu.memory_space<hbm>> -> memref<512xf32, #tpu.memory_space<hbm>>
      %dma_wait3A_15 = tpu.memref_slice %arg8[%mul3A_2] : memref<16384xf32, #tpu.memory_space<hbm>> -> memref<512xf32, #tpu.memory_space<hbm>>
      tpu.wait_dma2 semaphore(%run_scoped3A : memref<!tpu.dma_semaphore, #tpu.memory_space<semaphore_mem>>) src(%arg17 : memref<512xf32, #tpu.memory_space<vmem>>) dst(%dma_wait3A_15 : memref<512xf32, #tpu.memory_space<hbm>>)
      tpu.yield
    }) : () -> ()
    return
  }
}

</mosaic_0001>

<sc_bundles>
// kernel: kernel.3.cloned.1.call-start
scs
__scs_entry_jumppad:
0x0: {  	(pc) =	sbr.rel $0x88, $3  }
0x1: {  	(tag) =	ssettag $0x0;
	lr =	simm.s32 $0x1  }
0x2: {  	[smem:$0x3F9B] =	sst lr;
	_ =	strace $0xD0000000  }
0x3: {  	_ = 	snop  }
0x4: {  	_ = 	snop  }
0x5: {  	_ = 	snop  }
0x6: {  	_ = 	snop  }
0x7: {  	_ = 	snop  }
__scs_overlays_trampoline_lowered:
0x8: {  	[smem:$0x3FAA] =	sst s0  }
0x9: {  	[smem:$0x3FAB] =	sst s1  }
0xa: {  	[smem:$0x3FAC] =	sst s2  }
0xb: {  	[smem:$0x3FAD] =	sst s3  }
0xc: {  	[smem:$0x3FAE] =	sst s4  }
0xd: {  	[smem:$0x3FAF] =	sst s5  }
0xe: {  	[smem:$0x3FB0] =	sst s6  }
0xf: {  	[smem:$0x3FB1] =	sst s7  }
0x10: {  	[smem:$0x3FB2] =	sst s8  }
0x11: {  	[smem:$0x3FB3] =	sst s9;
	s0 =	simm.s32 @!p0 $0x0  }
0x12: {  	s1 =	sld [smem:$0x3F99];
	s0 =	simm.s32 @p0 $0x1  }
0x13: {  	[smem:$0x3FB4] =	sst s0;
	s0 =	simm.s32 @!p1 $0x0  }
0x14: {  	s2 =	sld [smem:$0x3F98];
	s0 =	simm.s32 @p1 $0x1  }
0x15: {  	[smem:$0x3FB5] =	sst s0;
	s0 =	simm.s32 @!p2 $0x0  }
0x16: {  	s3 =	sld [smem:$0x3FDB];
	s0 =	simm.s32 @p2 $0x1  }
0x17: {  	s4 =	simm.s32 $0x1BF5;
	[smem:$0x3FB7] =	sst s0  }
0x18: {  	s0 =	sld [smem:$0x3F9A];
	_ =	swait.ge [sflag:s4], $0x0  }
0x19: {  	s7 =	sld [smem:$0x3F9B]  }
0x1a: {  	s8 =	sadd.s32 $0xFFFFE003, lr  }
0x1b: {  	s9 =	sadd.s32 $0xFFFFFEF7, lr;
	s5 =	simm.s32 $0xFFFFFFFF;
	p2 =	slt.u32 s8, $0xFFFFF086  }
0x1c: {  	p1 =	slt.u32 s9, $0xF7A;
	s5 =	simm.s32 @!p2 $0x0  }
0x1d: {  	s5 =	simm.s32 @p1 $0x1;
	p0 =	seq.s32 s7, s2  }
0x1e: {  	s7 =	smul.u32 @!p0 $0xF7A, s2;
	p2 =	seq.s32 @!p0 s5, $0x0  }
0x1f: {  	s9 =	smul.u32 $0xF7A, s1;
	s8 =	simm.s32 @!p0 $0x1BF5;
	p2 =	por !p2, p0  }
0x20: {  	[sflag:s8] =	ssyncset.s32 @!p0 $0xFFFFF086;
	s6 =	sadd.s32 @!p0 s3, s7;
	s7 =	simm.s32 @!p0 $0x108  }
0x21: {  	s3 =	sadd.s32 s3, s9;
	s6 =	sadd.s32 @!p0 $0x88, s6;
	s7 =	simm.s32 @p2 $0x1082  }
0x22: {  	[simem:s7], [sflag:s8] =	dma.local @!p0 [hbm:s6], $0xF7A  }
0x23: {  	s9 =	sor.u32 $0xD0000000, s2;
	s6 =	simm.s32 $0x108;
	_ =	swait.ge @!p0 [sflag:s8], $0x0  }
0x24: {  	s3 =	sadd.s32 $0x88, s3;
	s6 =	simm.s32 @!p1 $0x1082;
	[sflag:s4] =	ssyncset.s32 $0xFFFFF086  }
0x25: {  	[simem:s6], [sflag:s4] =	dma.local [hbm:s3], $0xF7A  }
0x26: {  	[smem:$0x3F9B] =	sst s1;
	(tag) =	ssettag s2;
	_ =	strace s9  }
0x27: {  	s1 =	sld [smem:$0x3FAB]  }
0x28: {  	s2 =	sld [smem:$0x3FAC]  }
0x29: {  	s4 =	sld [smem:$0x3FAE]  }
0x2a: {  	p0 =	seq.s32 s5, $0x0;
	s5 =	sld [smem:$0x3FAF]  }
0x2b: {  	s6 =	sld [smem:$0x3FB0]  }
0x2c: {  	s7 =	sld [smem:$0x3FB1]  }
0x2d: {  	s3 =	simm.s32 $0x108;
	s8 =	sld [smem:$0x3FB2]  }
0x2e: {  	s3 =	simm.s32 @!p0 $0x1082;
	s9 =	sld [smem:$0x3FB3]  }
0x2f: {  	lr =	sadd.s32 s0, s3;
	s0 =	sld [smem:$0x3FAA]  }
0x30: {  	s3 =	sld [smem:$0x3FAD]  }
0x31: {  	[smem:$0x3FB6] =	sst s10  }
0x32: {  	s10 =	sld [smem:$0x3FB4];
	_ =	sdelay $0x3  }
0x33: {  	p0 =	seq.s32 s10, $0x1;
	s10 =	sld [smem:$0x3FB6];
	_ =	sdelay $0x3  }
0x34: {  	[smem:$0x3FB6] =	sst s10  }
0x35: {  	s10 =	sld [smem:$0x3FB5];
	_ =	sdelay $0x3  }
0x36: {  	p1 =	seq.s32 s10, $0x1;
	s10 =	sld [smem:$0x3FB6];
	_ =	sdelay $0x3  }
0x37: {  	[smem:$0x3FB6] =	sst s10  }
0x38: {  	s10 =	sld [smem:$0x3FB7]  }
0x39: {  	_ = 	snop;
	(pc) =	sbr.ind lr, $3  }
0x3a: {  	_ = 	snop  }
0x3b: {  	_ = 	snop  }
0x3c: {  	p2 =	seq.s32 s10, $0x1;
	s10 =	sld [smem:$0x3FB6]  }
0x3d: {  	_ =	shalt  }
0x3e: {  	_ =	shalt  }
0x3f: {  	_ =	shalt  }
0x40: {  	_ =	shalt  }
0x41: {  	_ =	shalt  }
0x42: {  	_ =	shalt  }
0x43: {  	_ =	shalt  }
0x44: {  	_ =	shalt  }
0x45: {  	_ =	shalt  }
0x46: {  	_ =	shalt  }
0x47: {  	_ =	shalt  }
0x48: {  	_ =	shalt  }
0x49: {  	_ =	shalt  }
0x4a: {  	_ =	shalt  }
0x4b: {  	_ =	shalt  }
0x4c: {  	_ =	shalt  }
0x4d: {  	_ =	shalt  }
0x4e: {  	_ =	shalt  }
0x4f: {  	_ =	shalt  }
0x50: {  	_ =	shalt  }
0x51: {  	_ =	shalt  }
0x52: {  	_ =	shalt  }
0x53: {  	_ =	shalt  }
0x54: {  	_ =	shalt  }
0x55: {  	_ =	shalt  }
0x56: {  	_ =	shalt  }
0x57: {  	_ =	shalt  }
0x58: {  	_ =	shalt  }
0x59: {  	_ =	shalt  }
0x5a: {  	_ =	shalt  }
0x5b: {  	_ =	shalt  }
0x5c: {  	_ =	shalt  }
0x5d: {  	_ =	shalt  }
0x5e: {  	_ =	shalt  }
0x5f: {  	_ =	shalt  }
0x60: {  	_ =	shalt  }
0x61: {  	_ =	shalt  }
0x62: {  	_ =	shalt  }
0x63: {  	_ =	shalt  }
0x64: {  	_ =	shalt  }
0x65: {  	_ =	shalt  }
0x66: {  	_ =	shalt  }
0x67: {  	_ =	shalt  }
0x68: {  	_ =	shalt  }
0x69: {  	_ =	shalt  }
0x6a: {  	_ =	shalt  }
0x6b: {  	_ =	shalt  }
0x6c: {  	_ =	shalt  }
0x6d: {  	_ =	shalt  }
0x6e: {  	_ =	shalt  }
0x6f: {  	_ =	shalt  }
0x70: {  	_ =	shalt  }
0x71: {  	_ =	shalt  }
0x72: {  	_ =	shalt  }
0x73: {  	_ =	shalt  }
0x74: {  	_ =	shalt  }
0x75: {  	_ =	shalt  }
0x76: {  	_ =	shalt  }
0x77: {  	_ =	shalt  }
0x78: {  	_ =	shalt  }
0x79: {  	_ =	shalt  }
0x7a: {  	_ =	shalt  }
0x7b: {  	_ =	shalt  }
0x7c: {  	_ =	shalt  }
0x7d: {  	_ =	shalt  }
0x7e: {  	_ =	shalt  }
0x7f: {  	_ =	shalt  }
0x80: {  	_ =	shalt  }
0x81: {  	_ =	shalt  }
0x82: {  	_ =	shalt  }
0x83: {  	_ =	shalt  }
0x84: {  	_ =	shalt  }
0x85: {  	_ =	shalt  }
0x86: {  	_ =	shalt  }
0x87: {  	_ =	shalt  }
.Lfunc_end0:
.L_simem_size_0:
called_computation_lowered:
.L_overlay_start_0:
0x88: {  	s2 =	sld [smem:$0x3FD9]  }
0x89: {  	s3 =	sld [smem:$0x3FFE];
	_ =	sdelay $0x1  }
0x8a: {  	s1 =	srdreg.scid  }
0x8b: {  	s0 =	sand.u32 $0x1, s1  }
0x8c: {  	s17 =	sshll.u32 s0, $0xA;
	s2 =	sadd.s32 s3, s2  }
0x8d: {  	s2 =	sadd.s32 s2, s17  }
0x8e: {  	[smem:$0x3FC2] =	sst s2  }
0x8f: {  	_ = 	snop  }
0x90: {  	s2 =	sld [smem:$0x3FC9]  }
0x91: {  	s18 =	sld [smem:$0x3FC8]  }
0x92: {  	s4 =	sld [smem:$0x3FD0];
	(tm) =	ssettm $0x1  }
0x93: {  	s5 =	sld [smem:$0x3FFB];
	_ =	sdelay $0x3  }
0x94: {  	_ =	strace s5  }
0x95: {  	s5 =	sld [smem:$0x3FFC];
	_ =	sdelay $0x3  }
0x96: {  	_ =	strace s5  }
0x97: {  	s5 =	sld [smem:$0x3FFD];
	_ =	sdelay $0x3  }
0x98: {  	_ =	strace s5  }
0x99: {  	_ =	strace $0x8FFFFFFF  }
0x9a: {  	s19 =	sld [smem:$0x3FDB];
	_ =	sdelay $0x1  }
0x9b: {  	s6 =	simm.s32 $_scs_section_size  }
0x9c: {  	s7 =	simm.s32 $_size__tile_overlayer_lowered;
	s8 =	simm.s32 $_tile_overlayer_lowered  }
0x9d: {  	s22 =	simm.s32 $0x1BFF;
	s21 =	sshll.u32 s8, $0x1;
	s5 =	sadd.s32 s6, s19  }
0x9e: {  	s9 =	simm.s32 $0x0;
	s20 =	sshll.u32 s7, $0x1;
	s7 =	sadd.s32 s21, s5  }
0x9f: {  	[timem:s9], [sflag:s22] =	dma.local [hbm:s7], s20  }
0xa0: {  	_ =	swait.ge [sflag:s22], s20  }
0xa1: {  	s6 =	ssub.s32 $0x0, s20;
	[sflag:s22] =	ssyncset.done $0x0  }
0xa2: {  	[sflag:s22] =	ssyncadd.s32 s6;
	_ =	sdelay $0x1  }
0xa3: {  	s23 =	simm.s32 $0x1B8B  }
0xa4: {  	_ =	swait.ge [sflag:s23], $0x1  }
0xa5: {  	[sflag:s23] =	ssyncset.done $0x0  }
0xa6: {  	s25 =	simm.s32 $0x1B8E;
	s24 =	sld [smem:$0x3FFE];
	[sflag:s23] =	ssyncadd.s32 $0xFFFFFFFF  }
0xa7: {  	s26 =	simm.s32 $execute0_lowered;
	[smem:$0x3FD2] =	sst s25  }
0xa8: {  	s7 =	sshll.u32 s26, $0x1;
	_ =	strace $0x80000046;
	[dreg:$0x1] =	wrdreg $0xFFFFFFFF  }
0xa9: {  	s28 =	simm.s32 $_size_execute0_lowered;
	s5 =	sadd.s32 s5, s7;
	[dreg:$0x0] =	wrdreg $0x0  }
0xaa: {  	s7 =	sshll.u32 s28, $0x1;
	[dreg:$0x2] =	wrdreg s5  }
0xab: {  	[dreg:$0x3] =	wrdreg s7  }
0xac: {  	[dreg:$0x4] =	wrdreg $0xC0  }
0xad: {  	_ =	task [dreg:s9], $0x5FFFF  }
0xae: {  	[dreg:$0x1] =	wrdreg $0xFFFFFFFF  }
0xaf: {  	[dreg:$0x0] =	wrdreg $0x60  }
0xb0: {  	[dreg:$0x2] =	wrdreg s2  }
0xb1: {  	[dreg:$0x3] =	wrdreg s18  }
0xb2: {  	[dreg:$0x4] =	wrdreg s24  }
0xb3: {  	[dreg:$0x5] =	wrdreg s4  }
0xb4: {  	[dreg:$0x6] =	wrdreg $0x9  }
0xb5: {  	_ =	task.clear_ibuf [dreg:s9], $0x7FFFF;
	_ =	strace $0x90000046  }
0xb6: {  	s29 =	simm.s32 $0x9;
	_ =	strace $0x80000048  }
0xb7: {  	_ =	swait.ge [sflag:s29], $0x1  }
0xb8: {  	[sflag:s29] =	ssyncadd.s32 $0xFFFFFFFF  }
0xb9: {  	_ =	strace $0x90000048  }
0xba: {  	_ =	sfence  }
0xbb: {  	s30 =	sld [smem:$0x0];
	_ =	sdelay $0x2  }
0xbc: {  	s31 =	sshll.u32 s1, $0xD;
	s1 =	sshrl.u32 s1, $0x2  }
0xbd: {  	s3 =	sand.u32 $0x4000, s31;
	s1 =	sadd.s32 s1, s30  }
0xbe: {  	s0 =	sor.u32 s3, s0;
	s1 =	sshll.u32 s1, $0x11  }
0xbf: {  	s0 =	sor.u32 s1, s0  }
0xc0: {  	s0 =	sadd.s32 $0x8F2B, s0  }
0xc1: {  	[sflag:s0] =	ssyncadd.remote.s32 $0x1  }
0xc2: {  	_ =	sfence.sel $0xFFFF  }
0xc3: {  	[dreg:$0x0] =	wrdreg $0xFFFFFFFF;
	(pc) =	sbr.abs _section_cstart, $3  }
0xc4: {  	[dreg:$0x1] =	wrdreg $0xFFFFFFFF  }
0xc5: {  	_ =	task.clear_ibuf [dreg:s9], $0x2FFFF;
	_ =	strace $0x9FFFFFFF  }
0xc6: {  	(tm) =	ssettm $0x7FFFFFFF  }
0xc7: {  	_ =	shalt  }
tec
execute0_lowered:
.L_overlay_start_1:
0x0: {  	(tag) =	ssettag $0x1  }
0x1: {  	s7 =	rddreg [dreg:$0x0]  }
0x2: {  	s8 =	rddreg [dreg:$0x1]  }
0x3: {  	s1 =	rddreg [dreg:$0x2]  }
0x4: {  	s9 =	rddreg [dreg:$0x3]  }
0x5: {  	s0 =	rddreg [dreg:$0x4];
	s2 =	simm.s32 $0x0;
	s6 =	srdreg.scid  }
0x6: {  	v0 =	vlaneseq.u32;
	s3 =	stileid.u32;
	s14 =	simm.s32 $0x800;
	s15 =	simm.s32 $0x1800  }
0x7: {  	vm2 =	vcmask $0xF0C;
	vm3 =	vcmask $0x714;
	vm1 =	vcmask $0x30C;
	s16 =	simm.s32 $0x2800;
	s17 =	simm.s32 $0x3800;
	s18 =	simm.s32 $0x1  }
0x8: {  	vm6 =	vcmask $0x1F1C;
	vm7 =	vcmask $0x1724;
	vm4 =	vcmask $0xF18;
	s19 =	simm.s32 $0x4800;
	s20 =	simm.s32 $0x0;
	[smem:$0x7FF] =	sst s2  }
0x9: {  	vm0 =	vmmov $0x1;
	vm5 =	vcmask $0x131C;
	vm10 =	vcmask $0x2F2C;
	s4 =	sadd.s32 $0x1E84800, s1;
	s5 =	sadd.s32 $0xF60E00, s1;
	s6 =	sand.u32 $0x1, s6  }
0xa: {  	vm11 =	vcmask $0x2734;
	vm8 =	vcmask $0x1F28;
	vm9 =	vcmask $0x232C;
	s11 =	sshll.u32 s3, $0x7;
	_ =	strace $0x80000047;
	s10 =	ssub.s32 $0x2, s6  }
0xb: {  	vm12 =	vcmask $0x2F38;
	vm13 =	vcmask $0x333C;
	v0 =	vmul.u32 $0x80, v0;
	s12 =	sshll.u32 s6, $0x6;
	s6 =	sadd.s32 $0xF42400, s1;
	s13 =	sshrl.u32 s10, $0x1  }
0xc: {  	vm14 =	vmmov $0x3fff;
	vm15 =	vmmov $0x7fff;
	vm2 =	vmor vm3, vm2;
	s11 =	sor.u32 s12, s11;
	s12 =	simm.s32 $0x200;
	s10 =	ssub.s32 s10, s13  }
0xd: {  	vm3 =	vcmask $0xB14;
	vm6 =	vmor vm7, vm6;
	v1 =	vor.u32 $0x800, v0;
	[tilespmem:$0x1FFF0] =	vst v0;
	s7 =	sadd.s32 s7, s11;
	s8 =	sadd.s32 s8, s11;
	s9 =	sadd.s32 s9, s11  }
0xe: {  	vm7 =	vcmask $0x1B24;
	vm10 =	vmor vm11, vm10;
	vm11 =	vcmask $0x2B34;
	s11 =	simm.s32 $0x2;
	s13 =	simm.s32 $0x20;
	[tilespmem:$0x1FFE0] =	vst v1;
	s10 =	smax.u32 s10, $0x1  }
.LBB2_1:
0xf: {  	[tilespmem:s2], [sflag:$0x2] =	stream.linear.gather [hbm4b:s7+s2], $0x200, $0x38;
	[tilespmem:$0x4A00] =	vst v63  }
0x10: {  	_ =	swait.ge [sflag:s11], $0x200  }
0x11: {  	[sflag:s11] =	ssyncset.done $0x0  }
0x12: {  	[sflag:s11] =	ssyncadd.s32 $0xFFFFFE00  }
0x13: {  	[tilespmem:s12], [sflag:$0x2] =	stream.linear.gather [hbm4b:s8+s2], $0x200, $0x38;
	[tilespmem:$0x4A00] =	vst v63  }
0x14: {  	_ =	swait.ge [sflag:s11], $0x200  }
0x15: {  	[sflag:s11] =	ssyncset.done $0x0  }
0x16: {  	s21 =	simm.s32 $0x0;
	[sflag:s11] =	ssyncadd.s32 $0xFFFFFE00  }
0x17: {  	v2 =	vld [tilespmem:s21+$0x200]  }
0x18: {  	s22 =	simm.s32 $0x40;
	v3 =	vld [tilespmem:s21+$0x0]  }
.LBB2_2:
0x19: {  	p0 =	sne.s32 s22, $0x7C0  }
.Ltmp0:
0x1a: {  	_ = 	snop;
	(pc) =	sbr.rel @p0 .LBB2_2-.Ltmp0, $4  }
0x1b: {  	_ = 	snop  }
0x1c: {  	s23 =	sshra.s32 s22, $0x2;
	s22 =	sadd.s32 $0x40, s22;
	v4 =	vshrl.u32 v2, $0x7  }
0x1d: {  	v2 =	vld [tilespmem:s23+$0x200];
	v5 =	vshrl.u32 v3, $0x7;
	[tilespmem:s21+$0x600] =	vst v4  }
0x1e: {  	v3 =	vld [tilespmem:s23+$0x0];
	[tilespmem:s21+$0x400] =	vst v5;
	s21 =	smov.u32 s23  }
0x1f: {  	_ =	sdelay $0x2  }
0x20: {  	v2 =	vshrl.u32 v2, $0x7  }
0x21: {  	v3 =	vshrl.u32 v3, $0x7;
	[tilespmem:s21+$0x600] =	vst v2  }
0x22: {  	[tilespmem:s21+$0x400] =	vst v3;
	s21 =	simm.s32 $0x0  }
.LBB2_4:
0x23: {  	s22 =	sshra.s32 s21, $0x2  }
0x24: {  	[tilespmem:s14], [sflag:$0x1] =	stream.indirect.gather [hbm4b:s4+s13], $0x80, s22, s13, $0xb8;
	[tilespmem:$0x4A00] =	vst v63  }
0x25: {  	s23 =	sadd.s32 $0x200, s22  }
0x26: {  	[tilespmem:s15], [sflag:$0x1] =	stream.indirect.gather [hbm4b:s1+s13], $0x80, s23, s13, $0xb8;
	[tilespmem:$0x4A00] =	vst v63  }
0x27: {  	s30 =	sadd.s32 $0x400, s22  }
0x28: {  	[tilespmem:s16], [sflag:$0x1] =	stream.indirect.gather [hbm4b:s5+s13], $0x80, s30, s13, $0xb8;
	[tilespmem:$0x4A00] =	vst v63  }
0x29: {  	s31 =	sadd.s32 $0x600, s22  }
0x2a: {  	[tilespmem:s17], [sflag:$0x1] =	stream.indirect.gather [hbm4b:s6+s13], $0x80, s31, s13, $0xb8;
	[tilespmem:$0x4A00] =	vst v63  }
0x2b: {  	_ =	swait.ge [sflag:s18], $0x1000  }
0x2c: {  	[sflag:s18] =	ssyncset.done $0x0  }
0x2d: {  	[sflag:s18] =	ssyncadd.s32 $0xFFFFF000  }
0x2e: {  	_ =	swait.ge [sflag:s18], $0x1000  }
0x2f: {  	[sflag:s18] =	ssyncset.done $0x0  }
0x30: {  	[sflag:s18] =	ssyncadd.s32 $0xFFFFF000  }
0x31: {  	_ =	swait.ge [sflag:s18], $0x1000  }
0x32: {  	[sflag:s18] =	ssyncset.done $0x0  }
0x33: {  	[sflag:s18] =	ssyncadd.s32 $0xFFFFF000  }
0x34: {  	_ =	swait.ge [sflag:s18], $0x1000  }
0x35: {  	[sflag:s18] =	ssyncset.done $0x0  }
0x36: {  	[sflag:s18] =	ssyncadd.s32 $0xFFFFF000  }
0x37: {  	v2 =	vld [tilespmem:s22+$0x0]  }
0x38: {  	v3 =	vld [tilespmem:s22+$0x200]  }
0x39: {  	v4 =	vld [tilespmem:$0x800]  }
0x3a: {  	v5 =	vld [tilespmem:$0x1800]  }
0x3b: {  	v6 =	vld [tilespmem:$0x810]  }
0x3c: {  	v7 =	vld [tilespmem:$0x1810]  }
0x3d: {  	v8 =	vld [tilespmem:$0x820]  }
0x3e: {  	v9 =	vld [tilespmem:$0x1820]  }
0x3f: {  	v10 =	vld [tilespmem:$0x830]  }
0x40: {  	v11 =	vld [tilespmem:$0x1830]  }
0x41: {  	v12 =	vld [tilespmem:$0x880]  }
0x42: {  	v13 =	vld [tilespmem:$0x1880]  }
0x43: {  	v14 =	vld [tilespmem:$0x890]  }
0x44: {  	v15 =	vld [tilespmem:$0x1890]  }
0x45: {  	v16 =	vld [tilespmem:$0x8A0]  }
0x46: {  	v17 =	vld [tilespmem:$0x18A0]  }
0x47: {  	v18 =	vld [tilespmem:$0x8B0]  }
0x48: {  	v19 =	vld [tilespmem:$0x18B0]  }
0x49: {  	v20 =	vld [tilespmem:$0x900]  }
0x4a: {  	v21 =	vld [tilespmem:$0x1900]  }
0x4b: {  	v22 =	vld [tilespmem:$0x910]  }
0x4c: {  	v23 =	vld [tilespmem:$0x1910]  }
0x4d: {  	v24 =	vld [tilespmem:$0x920]  }
0x4e: {  	v25 =	vld [tilespmem:$0x1920]  }
0x4f: {  	v26 =	vld [tilespmem:$0x930]  }
0x50: {  	v27 =	vld [tilespmem:$0x1930]  }
0x51: {  	v28 =	vld [tilespmem:$0x980]  }
0x52: {  	v29 =	vld [tilespmem:$0x1980]  }
0x53: {  	v30 =	vld [tilespmem:$0x990]  }
0x54: {  	v31 =	vld [tilespmem:$0x1990]  }
0x55: {  	v32 =	vld [tilespmem:$0x9A0]  }
0x56: {  	v33 =	vld [tilespmem:$0x19A0]  }
0x57: {  	v34 =	vld [tilespmem:$0x9B0]  }
0x58: {  	v35 =	vld [tilespmem:$0x19B0]  }
0x59: {  	v36 =	vld [tilespmem:$0xA00]  }
0x5a: {  	v37 =	vld [tilespmem:$0x1A00]  }
0x5b: {  	v38 =	vld [tilespmem:$0xA10]  }
0x5c: {  	v39 =	vld [tilespmem:$0x1A10]  }
0x5d: {  	v40 =	vld [tilespmem:$0xA20]  }
0x5e: {  	v41 =	vld [tilespmem:$0x1A20];
	v2 =	vand.u32 $0x7F, v2  }
0x5f: {  	v42 =	vld [tilespmem:$0xA30];
	v2 =	vor.u32 v0, v2  }
0x60: {  	v43 =	vld [tilespmem:$0x1A30]  }
0x61: {  	v44 =	vld [tilespmem:$0xA80]  }
0x62: {  	v45 =	vld [tilespmem:$0x1A80]  }
0x63: {  	v46 =	vld [tilespmem:$0xA90];
	v3 =	vand.u32 $0x7F, v3  }
0x64: {  	v3 =	vor.u32 v0, v3;
	v0 =	vld.idx.msk [tilespmem:v2+s16+$0x0], $0xffff  }
0x65: {  	v47 =	vld [tilespmem:$0x1A90]  }
0x66: {  	v48 =	vld [tilespmem:$0xAA0]  }
0x67: {  	v49 =	vld [tilespmem:$0x1AA0]  }
0x68: {  	v50 =	vld [tilespmem:$0xAB0]  }
0x69: {  	[tilespmem:$0x1FD00] =	vst v0;
	v0 =	vld.idx.msk [tilespmem:v3+s17+$0x0], $0xffff  }
0x6a: {  	v3 =	vld [tilespmem:$0xC00]  }
0x6b: {  	v51 =	vld [tilespmem:$0x1AB0]  }
0x6c: {  	v52 =	vld [tilespmem:$0xB00]  }
0x6d: {  	v53 =	vld [tilespmem:$0x1B00]  }
0x6e: {  	v54 =	vld [tilespmem:$0xB10]  }
0x6f: {  	[tilespmem:$0x1FD30] =	vst v3;
	v3 =	vld [tilespmem:$0x1C00]  }
0x70: {  	v55 =	vld [tilespmem:$0x1B10]  }
0x71: {  	v56 =	vld [tilespmem:$0xB20]  }
0x72: {  	v57 =	vld [tilespmem:$0x1B20]  }
0x73: {  	v58 =	vld [tilespmem:$0xB30]  }
0x74: {  	[tilespmem:$0x1FD40] =	vst v3;
	v3 =	vld [tilespmem:$0xC10]  }
0x75: {  	v59 =	vld [tilespmem:$0x1B30]  }
0x76: {  	v60 =	vld [tilespmem:$0xB80]  }
0x77: {  	v61 =	vld [tilespmem:$0x1B80]  }
0x78: {  	v62 =	vld [tilespmem:$0xB90]  }
0x79: {  	[tilespmem:$0x1FD50] =	vst v3;
	v3 =	vld [tilespmem:$0x1C10]  }
0x7a: {  	v63 =	vld [tilespmem:$0x1B90]  }
0x7b: {  	v1 =	vld [tilespmem:$0x1BA0]  }
0x7c: {  	v4 =	vmul.f32 v5, v4;
	v5 =	vmul.f32 v7, v6;
	v6 =	vld [tilespmem:$0x1CB0]  }
0x7d: {  	v7 =	vmul.f32 v9, v8;
	v9 =	vld [tilespmem:$0xD00]  }
0x7e: {  	[tilespmem:$0x1FD60] =	vst v3;
	v3 =	vld [tilespmem:$0xC20]  }
0x7f: {  	v8 =	vmul.f32 v11, v10;
	v10 =	vmul.f32 v13, v12;
	v12 =	vld [tilespmem:$0x1D00]  }
0x80: {  	v11 =	vmul.f32 v15, v14;
	v15 =	vld [tilespmem:$0xD10]  }
0x81: {  	v14 =	vld [tilespmem:$0x1D20]  }
0x82: {  	v25 =	vmul.f32 v25, v24;
	v24 =	vld [tilespmem:$0xD90]  }
0x83: {  	[tilespmem:$0x1FD70] =	vst v3;
	v3 =	vld [tilespmem:$0x1C20]  }
0x84: {  	v21 =	vmul.f32 v21, v20;
	v20 =	vld [tilespmem:$0xE10]  }
0x85: {  	v29 =	vmul.f32 v29, v28;
	v28 =	vld [tilespmem:$0xE20]  }
0x86: {  	v31 =	vmul.f32 v31, v30;
	v30 =	vld [tilespmem:$0xE30]  }
0x87: {  	v13 =	vmul.f32 v17, v16;
	v17 =	vadd.f32 v8, v7;
	v7 =	vld [tilespmem:$0x1D10]  }
0x88: {  	v23 =	vmul.f32 v23, v22;
	[tilespmem:$0x1FD80] =	vst v3;
	v3 =	vld [tilespmem:$0xC30]  }
0x89: {  	v19 =	vmul.f32 v19, v18;
	v18 =	vadd.f32 v11, v10;
	v11 =	vld [tilespmem:$0xD20]  }
0x8a: {  	v27 =	vmul.f32 v27, v26;
	v4 =	vadd.f32 v5, v4;
	v5 =	vadd.f32 v23, v21;
	v21 =	vld [tilespmem:$0xD80]  }
0x8b: {  	v23 =	vld [tilespmem:$0x1D80]  }
0x8c: {  	v10 =	vadd.f32 v27, v25;
	v25 =	vld [tilespmem:$0x1E10]  }
0x8d: {  	v32 =	vmul.f32 v33, v32;
	v33 =	vmul.f32 v35, v34;
	[tilespmem:$0x1FD90] =	vst v3;
	v3 =	vld [tilespmem:$0x1C30]  }
0x8e: {  	v19 =	vadd.f32 v19, v13;
	v13 =	vadd.f32 v31, v29;
	v29 =	vld [tilespmem:$0x1E20]  }
0x8f: {  	v16 =	vadd.f32 v33, v32;
	v32 =	vld [tilespmem:$0x1E30]  }
0x90: {  	v33 =	vld [tilespmem:$0xE80]  }
0x91: {  	v4 =	vadd.f32 v17, v4;
	v17 =	vld [tilespmem:$0xD30]  }
0x92: {  	[tilespmem:$0x1FDA0] =	vst v3;
	v3 =	vld [tilespmem:$0xC80]  }
0x93: {  	v8 =	vadd.f32 v19, v18;
	v19 =	vld [tilespmem:$0x1D30]  }
0x94: {  	v18 =	vld [tilespmem:$0x1D90]  }
0x95: {  	v5 =	vadd.f32 v10, v5;
	v10 =	vld [tilespmem:$0xDA0]  }
0x96: {  	v35 =	vmul.f32 v39, v38;
	v38 =	vadd.f32 v16, v13;
	v13 =	vld [tilespmem:$0x1DA0]  }
0x97: {  	v34 =	vmul.f32 v37, v36;
	[tilespmem:$0x1FDB0] =	vst v3;
	v3 =	vld [tilespmem:$0x1C80]  }
0x98: {  	v36 =	vmul.f32 v41, v40;
	v37 =	vmul.f32 v43, v42;
	v16 =	vld [tilespmem:$0x1E00]  }
0x99: {  	v2 =	vld [tilespmem:$0xBB0];
	(xrf2) =	vadd.scan.msk.f32 $0xffff, v4  }
0x9a: {  	(xrf2) =	vadd.scan.msk.f32 $0xffff, v8;
	v8 =	vadd.f32 v37, v36;
	v37 =	vld [tilespmem:$0x1E80]  }
0x9b: {  	v4 =	vadd.f32 v35, v34;
	(xrf2) =	vadd.scan.msk.f32 $0xffff, v5;
	v5 =	vld [tilespmem:$0x1DB0]  }
0x9c: {  	[tilespmem:$0x1FDC0] =	vst v3;
	v3 =	vld [tilespmem:$0xC90]  }
0x9d: {  	v4 =	vadd.f32 v8, v4;
	v8 =	vld [tilespmem:$0xDB0]  }
0x9e: {  	(xrf2) =	vadd.scan.msk.f32 $0xffff, v38;
	v38 =	vld [tilespmem:$0xF00]  }
0x9f: {  	v18 =	vmul.f32 v18, v24;
	v24 =	vld [tilespmem:$0xF90]  }
0xa0: {  	v40 =	vld [tilespmem:$0x1FD00]  }
0xa1: {  	[tilespmem:$0x1FDD0] =	vst v3;
	v3 =	vld [tilespmem:$0x1C90]  }
0xa2: {  	[tilespmem:$0x1FD10] =	vst v0;
	v0 =	vld [tilespmem:$0xBA0]  }
0xa3: {  	v41 =	vld [tilespmem:$0x1FD10]  }
0xa4: {  	(xrf2) =	vadd.scan.msk.f32 $0xffff, v4;
	v4 =	vld [tilespmem:$0xE00];
	v39, _, _ =	vpop (xrf2)  }
0xa5: {  	v22 =	vbroadcast v39, $0xF;
	v39 =	vld [tilespmem:$0x1E90]  }
0xa6: {  	v42, _, _ =	vpop (xrf2);
	[tilespmem:$0x1FDE0] =	vst v3;
	v3 =	vld [tilespmem:$0xCA0]  }
0xa7: {  	v27 =	vbroadcast v42, $0xF;
	v42 =	vld [tilespmem:$0xEA0]  }
0xa8: {  	v43, _, _ =	vpop (xrf2);
	[tilespmem:$0x1FD20] =	vst v0;
	v0 =	vld [tilespmem:$0x1BB0];
	v26 =	vadd.f32 v41, v40  }
0xa9: {  	v31 =	vbroadcast v43, $0xF;
	v43 =	vld [tilespmem:$0x1F00]  }
0xaa: {  	v44 =	vmul.f32 v45, v44;
	v47 =	vmul.f32 v47, v46;
	v40 =	vld [tilespmem:$0xE90];
	v22 =	vadd.f32 v22, v26  }
0xab: {  	v48 =	vmul.f32 v49, v48;
	v27 =	vadd.f32 v27, v26;
	[tilespmem:$0x1FDF0] =	vst v3;
	v3 =	vld [tilespmem:$0x1CA0]  }
0xac: {  	v51 =	vmul.f32 v51, v50;
	v49, _, _ =	vpop (xrf2);
	v22 =	vsel vm0, v22, v26;
	v26 =	vadd.f32 v47, v44;
	v44 =	vld [tilespmem:$0x1EA0]  }
0xad: {  	v46 =	vbroadcast v49, $0xF;
	v0 =	vmul.f32 v0, v2;
	v2 =	vld [tilespmem:$0x1EB0];
	v27 =	vsel vm1, v22, v27  }
0xae: {  	v45, _, _ =	vpop (xrf2);
	v22 =	vadd.f32 v31, v22;
	v31 =	vadd.f32 v51, v48;
	v48 =	vmul.f32 v55, v54;
	v54 =	vld [tilespmem:$0x1FD50]  }
0xaf: {  	v47 =	vbroadcast v45, $0xF;
	v34 =	vadd.f32 v46, v27;
	v46 =	vld [tilespmem:$0xEB0]  }
0xb0: {  	v53 =	vmul.f32 v53, v52;
	[tilespmem:$0x1FE00] =	vst v3;
	v3 =	vld [tilespmem:$0xCB0]  }
0xb1: {  	v36 =	vadd.f32 v47, v27;
	v47 =	vld [tilespmem:$0xF10]  }
0xb2: {  	v35 =	vadd.f32 v48, v53;
	v53 =	vld [tilespmem:$0x1FD40]  }
0xb3: {  	v22 =	vsel vm2, v27, v22;
	v27 =	vld [tilespmem:$0x1F90]  }
0xb4: {  	v55 =	vld [tilespmem:$0x1FD60]  }
0xb5: {  	[tilespmem:$0x1FE10] =	vst v3;
	v3 =	vld [tilespmem:$0x1FD20]  }
0xb6: {  	v49 =	vmul.f32 v57, v56;
	v56 =	vld [tilespmem:$0x1FD70]  }
0xb7: {  	v57 =	vld [tilespmem:$0x1FD80]  }
0xb8: {  	v50 =	vmul.f32 v59, v58;
	v58 =	vld [tilespmem:$0x1FD90]  }
0xb9: {  	v59 =	vld [tilespmem:$0x1FDA0]  }
0xba: {  	v51 =	vmul.f32 v61, v60;
	v60 =	vld [tilespmem:$0x1FDB0];
	v1 =	vmul.f32 v1, v3  }
0xbb: {  	v61 =	vld [tilespmem:$0x1FDC0]  }
0xbc: {  	v0 =	vadd.f32 v0, v1;
	v1 =	vld [tilespmem:$0x1FD30]  }
0xbd: {  	v52 =	vmul.f32 v63, v62;
	v9 =	vmul.f32 v12, v9;
	v62 =	vld [tilespmem:$0x1FDD0]  }
0xbe: {  	v7 =	vmul.f32 v7, v15;
	v11 =	vmul.f32 v14, v11;
	v63 =	vld [tilespmem:$0x1FDE0]  }
0xbf: {  	v29 =	vmul.f32 v29, v28;
	v26 =	vadd.f32 v31, v26;
	v41 =	vmul.f32 v55, v54;
	v54 =	vld [tilespmem:$0x1FE00]  }
0xc0: {  	v7 =	vadd.f32 v7, v9;
	v5 =	vmul.f32 v5, v8;
	v4 =	vmul.f32 v16, v4;
	v55 =	vld [tilespmem:$0x1FE10]  }
0xc1: {  	(xrf2) =	vadd.scan.msk.f32 $0xffff, v26;
	v26 =	vmul.f32 v25, v20;
	v3 =	vadd.f32 v50, v49;
	v1 =	vmul.f32 v53, v1;
	v53 =	vld [tilespmem:$0x1FDF0]  }
0xc2: {  	v31 =	vadd.f32 v52, v51;
	v52 =	vld [tilespmem:$0x1F10];
	v2 =	vmul.f32 v2, v46;
	v46 =	vmul.f32 v27, v24  }
0xc3: {  	v45 =	vmul.f32 v59, v58;
	v58 =	vld [tilespmem:$0xF30];
	v3 =	vadd.f32 v3, v35;
	v35 =	vmul.f32 v57, v56  }
0xc4: {  	v4 =	vadd.f32 v26, v4;
	v59 =	vmul.f32 v19, v17;
	v48 =	vmul.f32 v63, v62;
	v62 =	vld [tilespmem:$0xF80]  }
0xc5: {  	v6 =	vmul.f32 v6, v55;
	v56 =	vld [tilespmem:$0xF20];
	v35 =	vadd.f32 v45, v35;
	(xrf2) =	vadd.scan.msk.f32 $0xffff, v3;
	v1 =	vadd.f32 v41, v1  }
0xc6: {  	v57 =	vld [tilespmem:$0x1F20];
	v0 =	vadd.f32 v0, v31;
	v31 =	vmul.f32 v61, v60;
	v41 =	vmul.f32 v54, v53  }
0xc7: {  	v60 =	vld [tilespmem:$0x1F30];
	v61 =	vmul.f32 v23, v21;
	v3 =	vadd.f32 v59, v11;
	v1 =	vadd.f32 v35, v1  }
0xc8: {  	v63 =	vmul.f32 v13, v10;
	v21 =	vld [tilespmem:$0x1F80];
	v31 =	vadd.f32 v48, v31;
	(xrf2) =	vadd.scan.msk.f32 $0xffff, v0;
	v6 =	vadd.f32 v6, v41  }
0xc9: {  	v23 =	vadd.f32 v18, v61;
	(xrf2) =	vadd.scan.msk.f32 $0xffff, v1;
	v1 =	vmul.f32 v37, v33;
	v33 =	vmul.f32 v39, v40;
	v39 =	vld [tilespmem:$0xFB0]  }
0xca: {  	v0 =	vadd.f32 v5, v63;
	v40 =	vld [tilespmem:$0x1FB0];
	v6 =	vadd.f32 v6, v31;
	v31 =	vmul.f32 v32, v30  }
0xcb: {  	v10 =	vsel vm3, v22, v34;
	v3 =	vadd.f32 v3, v7;
	v35 =	vld [tilespmem:$0x1FA0];
	v37 =	vmul.f32 v44, v42  }
0xcc: {  	v0 =	vadd.f32 v0, v23;
	v44 =	vmul.f32 v60, v58;
	v32 =	vld [tilespmem:$0xFA0];
	(xrf2) =	vadd.scan.msk.f32 $0xffff, v6;
	v7 =	vadd.f32 v31, v29  }
0xcd: {  	v42, _, _ =	vpop (xrf2);
	v41 =	vmul.f32 v52, v47;
	v1 =	vadd.f32 v33, v1;
	v2 =	vadd.f32 v2, v37;
	(xrf2) =	vadd.scan.msk.f32 $0xffff, v3  }
0xce: {  	v45 =	vbroadcast v42, $0xF;
	v47 =	vsel vm4, v10, v36;
	(xrf2) =	vadd.scan.msk.f32 $0xffff, v0;
	v0 =	vadd.f32 v7, v4  }
0xcf: {  	v48, _, _ =	vpop (xrf2);
	v1 =	vadd.f32 v2, v1;
	v6 =	vmul.f32 v40, v39;
	v3 =	vmul.f32 v43, v38  }
0xd0: {  	v49 =	vadd.f32 v45, v10;
	v43 =	vmul.f32 v57, v56;
	v7 =	vbroadcast v48, $0xF;
	(xrf2) =	vadd.scan.msk.f32 $0xffff, v0  }
0xd1: {  	v2 =	vadd.f32 v41, v3;
	v3 =	vmul.f32 v21, v62;
	(xrf2) =	vadd.scan.msk.f32 $0xffff, v1;
	v1 =	vmul.f32 v35, v32  }
0xd2: {  	v0 =	vadd.f32 v44, v43;
	v5 =	vadd.f32 v7, v47  }
0xd3: {  	v50, _, _ =	vpop (xrf2);
	v3 =	vadd.f32 v46, v3;
	v1 =	vadd.f32 v6, v1  }
0xd4: {  	v51 =	vsel vm5, v47, v49;
	v0 =	vadd.f32 v0, v2;
	v2 =	vbroadcast v50, $0xF  }
0xd5: {  	v1 =	vadd.f32 v1, v3;
	v3 =	vsel vm6, v51, v5  }
0xd6: {  	v52, _, _ =	vpop (xrf2);
	(xrf2) =	vadd.scan.msk.f32 $0xffff, v0;
	v0 =	vadd.f32 v2, v51  }
0xd7: {  	v53, _, _ =	vpop (xrf2)  }
0xd8: {  	v2 =	vbroadcast v52, $0xF;
	v0 =	vsel vm7, v3, v0;
	v3, _, _ =	vpop (xrf2)  }
0xd9: {  	v54 =	vbroadcast v53, $0xF;
	v3 =	vbroadcast v3, $0xF  }
0xda: {  	v2 =	vadd.f32 v2, v51  }
0xdb: {  	(xrf2) =	vadd.scan.msk.f32 $0xffff, v1;
	v1 =	vadd.f32 v54, v0  }
0xdc: {  	v55, _, _ =	vpop (xrf2);
	v0 =	vsel vm8, v0, v2  }
0xdd: {  	v1 =	vsel vm9, v0, v1;
	v0 =	vadd.f32 v3, v0;
	v3, _, _ =	vpop (xrf2)  }
0xde: {  	v2 =	vbroadcast v55, $0xF;
	v3 =	vbroadcast v3, $0xF;
	_ =	sdelay $0x1  }
0xdf: {  	v58 =	vld [tilespmem:s22+$0x210];
	v2 =	vadd.f32 v2, v1;
	v56, _, _ =	vpop (xrf2)  }
0xe0: {  	v57 =	vld [tilespmem:s22+$0x10];
	v0 =	vsel vm10, v1, v0;
	v4 =	vbroadcast v56, $0xF;
	v1 =	vadd.f32 v3, v1  }
0xe1: {  	v59 =	vld [tilespmem:$0x1FFE0];
	v0 =	vsel vm11, v0, v2;
	v3, _, _ =	vpop (xrf2)  }
0xe2: {  	v2 =	vadd.f32 v4, v0;
	v0 =	vsel vm12, v0, v1;
	v1 =	vbroadcast v3, $0xF;
	_ =	sdelay $0x2  }
0xe3: {  	v60 =	vand.u32 $0x7F, v58;
	v3 =	vand.u32 $0x7F, v57  }
0xe4: {  	v2 =	vsel vm13, v0, v2;
	v3 =	vor.u32 v59, v3;
	v0 =	vadd.f32 v1, v0;
	v1, _, _ =	vpop (xrf2)  }
0xe5: {  	v4 =	vor.u32 v59, v60;
	v1 =	vadd.f32 v1, v2  }
0xe6: {  	v0 =	vsel vm14, v2, v0  }
0xe7: {  	v0 =	vsel vm15, v0, v1  }
0xe8: {  	[tilespmem:s22+$0x4800] =	vst v0  }
0xe9: {  	v0 =	vld.idx.msk [tilespmem:v3+s16+$0x0], $0xffff  }
0xea: {  	v1 =	vld.idx.msk [tilespmem:v4+s17+$0x0], $0xffff  }
0xeb: {  	v2 =	vld [tilespmem:$0x1000]  }
0xec: {  	v3 =	vld [tilespmem:$0x2000]  }
0xed: {  	v4 =	vld [tilespmem:$0x1010]  }
0xee: {  	v5 =	vld [tilespmem:$0x2010]  }
0xef: {  	v6 =	vld [tilespmem:$0x1020]  }
0xf0: {  	v7 =	vld [tilespmem:$0x2020]  }
0xf1: {  	v8 =	vld [tilespmem:$0x1030]  }
0xf2: {  	v9 =	vld [tilespmem:$0x2030]  }
0xf3: {  	v10 =	vld [tilespmem:$0x1080]  }
0xf4: {  	v11 =	vld [tilespmem:$0x2080]  }
0xf5: {  	v12 =	vld [tilespmem:$0x1090]  }
0xf6: {  	v13 =	vld [tilespmem:$0x2090]  }
0xf7: {  	v14 =	vld [tilespmem:$0x10A0]  }
0xf8: {  	v15 =	vld [tilespmem:$0x20A0]  }
0xf9: {  	v16 =	vld [tilespmem:$0x10B0]  }
0xfa: {  	v17 =	vld [tilespmem:$0x20B0]  }
0xfb: {  	v18 =	vld [tilespmem:$0x1100]  }
0xfc: {  	v19 =	vld [tilespmem:$0x2100]  }
0xfd: {  	v20 =	vld [tilespmem:$0x1110]  }
0xfe: {  	v21 =	vld [tilespmem:$0x2110]  }
0xff: {  	v22 =	vld [tilespmem:$0x1120]  }
0x100: {  	v23 =	vld [tilespmem:$0x2120]  }
0x101: {  	v46 =	vld [tilespmem:$0x1400]  }
0x102: {  	v24 =	vld [tilespmem:$0x1130]  }
0x103: {  	v25 =	vld [tilespmem:$0x2130]  }
0x104: {  	v26 =	vld [tilespmem:$0x1180]  }
0x105: {  	v27 =	vld [tilespmem:$0x2180]  }
0x106: {  	[tilespmem:$0x1FE50] =	vst v46;
	v46 =	vld [tilespmem:$0x2400]  }
0x107: {  	v28 =	vld [tilespmem:$0x1190]  }
0x108: {  	v29 =	vld [tilespmem:$0x2190]  }
0x109: {  	v30 =	vld [tilespmem:$0x11A0]  }
0x10a: {  	v31 =	vld [tilespmem:$0x21A0]  }
0x10b: {  	[tilespmem:$0x1FE60] =	vst v46;
	v46 =	vld [tilespmem:$0x1410]  }
0x10c: {  	v32 =	vld [tilespmem:$0x11B0]  }
0x10d: {  	v33 =	vld [tilespmem:$0x21B0]  }
0x10e: {  	v42 =	vld [tilespmem:$0x1200]  }
0x10f: {  	v35 =	vld [tilespmem:$0x2200]  }
0x110: {  	[tilespmem:$0x1FE70] =	vst v46;
	v46 =	vld [tilespmem:$0x2410]  }
0x111: {  	v36 =	vld [tilespmem:$0x1210]  }
0x112: {  	v37 =	vld [tilespmem:$0x2210]  }
0x113: {  	v61 =	vld [tilespmem:$0x1220]  }
0x114: {  	v39 =	vld [tilespmem:$0x2220]  }
0x115: {  	[tilespmem:$0x1FE80] =	vst v46;
	v46 =	vld [tilespmem:$0x1420]  }
0x116: {  	v40 =	vld [tilespmem:$0x1230]  }
0x117: {  	v41 =	vld [tilespmem:$0x2230]  }
0x118: {  	v62 =	vld [tilespmem:$0x1280]  }
0x119: {  	v43 =	vld [tilespmem:$0x2280]  }
0x11a: {  	[tilespmem:$0x1FE90] =	vst v46;
	v46 =	vld [tilespmem:$0x2420]  }
0x11b: {  	v44 =	vld [tilespmem:$0x1290]  }
0x11c: {  	v45 =	vld [tilespmem:$0x2290]  }
0x11d: {  	v63 =	vld [tilespmem:$0x12A0]  }
0x11e: {  	v47 =	vld [tilespmem:$0x22A0]  }
0x11f: {  	[tilespmem:$0x1FEA0] =	vst v46;
	v46 =	vld [tilespmem:$0x1430]  }
0x120: {  	v48 =	vld [tilespmem:$0x12B0]  }
0x121: {  	v49 =	vld [tilespmem:$0x22B0]  }
0x122: {  	v50 =	vld [tilespmem:$0x1300]  }
0x123: {  	v51 =	vld [tilespmem:$0x2300]  }
0x124: {  	[tilespmem:$0x1FEB0] =	vst v46;
	v46 =	vld [tilespmem:$0x2430]  }
0x125: {  	v52 =	vld [tilespmem:$0x1310]  }
0x126: {  	v53 =	vld [tilespmem:$0x2310]  }
0x127: {  	v54 =	vld [tilespmem:$0x1320]  }
0x128: {  	v55 =	vld [tilespmem:$0x2320]  }
0x129: {  	[tilespmem:$0x1FEC0] =	vst v46;
	v46 =	vld [tilespmem:$0x1480]  }
0x12a: {  	v56 =	vld [tilespmem:$0x1330]  }
0x12b: {  	v57 =	vld [tilespmem:$0x2330]  }
0x12c: {  	v58 =	vld [tilespmem:$0x1380]  }
0x12d: {  	v59 =	vld [tilespmem:$0x2380]  }
0x12e: {  	[tilespmem:$0x1FED0] =	vst v46;
	v46 =	vld [tilespmem:$0x2480]  }
0x12f: {  	v60 =	vld [tilespmem:$0x1390]  }
0x130: {  	v38 =	vld [tilespmem:$0x13B0]  }
0x131: {  	v34 =	vld [tilespmem:$0x23B0]  }
0x132: {  	[tilespmem:$0x1FE20] =	vst v61;
	v61 =	vld [tilespmem:$0x2390]  }
0x133: {  	[tilespmem:$0x1FEE0] =	vst v46;
	v46 =	vld [tilespmem:$0x1490]  }
0x134: {  	[tilespmem:$0x1FE30] =	vst v62;
	v62 =	vld [tilespmem:$0x13A0]  }
0x135: {  	[tilespmem:$0x1FE40] =	vst v63;
	v63 =	vld [tilespmem:$0x23A0]  }
0x136: {  	v2 =	vmul.f32 v3, v2;
	v3 =	vmul.f32 v5, v4;
	v4 =	vld [tilespmem:$0x1590]  }
0x137: {  	v0 =	vadd.f32 v1, v0;
	v1 =	vmul.f32 v7, v6;
	v6 =	vld [tilespmem:$0x2590]  }
0x138: {  	[tilespmem:$0x1FEF0] =	vst v46;
	v46 =	vld [tilespmem:$0x2490]  }
0x139: {  	v5 =	vmul.f32 v9, v8;
	v8 =	vld [tilespmem:$0x15A0]  }
0x13a: {  	v13 =	vmul.f32 v13, v12;
	v12 =	vld [tilespmem:$0x15B0]  }
0x13b: {  	v17 =	vmul.f32 v17, v16;
	v16 =	vld [tilespmem:$0x1600]  }
0x13c: {  	v7 =	vmul.f32 v19, v18;
	v18 =	vld [tilespmem:$0x2600]  }
0x13d: {  	[tilespmem:$0x1FF00] =	vst v46;
	v46 =	vld [tilespmem:$0x14A0]  }
0x13e: {  	v2 =	vadd.f32 v3, v2;
	v3 =	vmul.f32 v11, v10;
	v10 =	vld [tilespmem:$0x25A0]  }
0x13f: {  	v1 =	vadd.f32 v5, v1;
	v5 =	vmul.f32 v15, v14;
	v14 =	vld [tilespmem:$0x25B0]  }
0x140: {  	v11 =	vmul.f32 v21, v20;
	v15 =	vld [tilespmem:$0x1620]  }
0x141: {  	v21 =	vmul.f32 v23, v22;
	v23 =	vmul.f32 v29, v28;
	v29 =	vld [tilespmem:$0x1FE30]  }
0x142: {  	[tilespmem:$0x1FF10] =	vst v46;
	v46 =	vld [tilespmem:$0x24A0]  }
0x143: {  	v20 =	vld [tilespmem:$0x1630]  }
0x144: {  	v22 =	vmul.f32 v25, v24;
	v24 =	vmul.f32 v31, v30;
	v31 =	vld [tilespmem:$0x1FE40]  }
0x145: {  	v7 =	vadd.f32 v11, v7;
	v11 =	vld [tilespmem:$0x1610]  }
0x146: {  	v3 =	vadd.f32 v13, v3;
	v13 =	vld [tilespmem:$0x2610]  }
0x147: {  	v25 =	vmul.f32 v33, v32;
	[tilespmem:$0x1FF20] =	vst v46;
	v46 =	vld [tilespmem:$0x14B0]  }
0x148: {  	v5 =	vadd.f32 v17, v5;
	v1 =	vadd.f32 v1, v2;
	v2 =	vmul.f32 v27, v26;
	v17 =	vld [tilespmem:$0x2620]  }
0x149: {  	v9 =	vadd.f32 v22, v21;
	v26 =	vmul.f32 v35, v42;
	v27 =	vmul.f32 v37, v36;
	v22 =	vld [tilespmem:$0x2630]  }
0x14a: {  	v3 =	vadd.f32 v5, v3;
	v5 =	vadd.f32 v25, v24;
	v24 =	vld [tilespmem:$0x1680]  }
0x14b: {  	(xrf2) =	vadd.scan.msk.f32 $0xffff, v1;
	v1 =	vadd.f32 v9, v7;
	v7 =	vadd.f32 v27, v26;
	v26 =	vld [tilespmem:$0x2680]  }
0x14c: {  	[tilespmem:$0x1FF30] =	vst v46;
	v46 =	vld [tilespmem:$0x24B0]  }
0x14d: {  	v2 =	vadd.f32 v23, v2;
	v23 =	vld [tilespmem:$0x16A0]  }
0x14e: {  	v33 =	vmul.f32 v51, v50;
	v35 =	vmul.f32 v53, v52;
	v25 =	vld [tilespmem:$0x26A0]  }
0x14f: {  	v30 =	vmul.f32 v45, v44;
	v44 =	vld [tilespmem:$0x1FE60]  }
0x150: {  	v19 =	vadd.f32 v35, v33;
	v33 =	vld [tilespmem:$0x26B0]  }
0x151: {  	v36 =	vmul.f32 v55, v54;
	v37 =	vmul.f32 v57, v56;
	[tilespmem:$0x1FF40] =	vst v46;
	v46 =	vld [tilespmem:$0x1500]  }
0x152: {  	(xrf2) =	vadd.scan.msk.f32 $0xffff, v3;
	v3 =	vld [tilespmem:$0x1FE20]  }
0x153: {  	v21 =	vadd.f32 v37, v36;
	v36 =	vld [tilespmem:$0x2700]  }
0x154: {  	v9 =	vmul.f32 v43, v29;
	v43 =	vld [tilespmem:$0x1FE50]  }
0x155: {  	v2 =	vadd.f32 v5, v2;
	v5 =	vmul.f32 v47, v31;
	v31 =	vld [tilespmem:$0x16B0]  }
0x156: {  	[tilespmem:$0x1FF50] =	vst v46;
	v46 =	vld [tilespmem:$0x2500]  }
0x157: {  	v28 =	vmul.f32 v41, v40;
	v9 =	vadd.f32 v30, v9;
	v30 =	vld [tilespmem:$0x2690];
	v3 =	vmul.f32 v39, v3  }
0x158: {  	v47 =	vld [tilespmem:$0x1FE70]  }
0x159: {  	v32 =	vmul.f32 v49, v48;
	v3 =	vadd.f32 v28, v3;
	v28 =	vld [tilespmem:$0x1690]  }
0x15a: {  	v40 =	vmul.f32 v61, v60;
	v39 =	vmul.f32 v59, v58;
	v48 =	vld [tilespmem:$0x1FE80]  }
0x15b: {  	[tilespmem:$0x1FF60] =	vst v46;
	v46 =	vld [tilespmem:$0x1510]  }
0x15c: {  	v3 =	vadd.f32 v3, v7;
	v7 =	vadd.f32 v40, v39;
	v39 =	vld [tilespmem:$0x1710]  }
0x15d: {  	v50 =	vld [tilespmem:$0x1FE90]  }
0x15e: {  	v42 =	vmul.f32 v34, v38;
	v41 =	vmul.f32 v63, v62;
	v5 =	vadd.f32 v32, v5;
	v51 =	vld [tilespmem:$0x1FEA0]  }
0x15f: {  	v52 =	vld [tilespmem:$0x1FEB0]  }
0x160: {  	v5 =	vadd.f32 v5, v9;
	v9 =	vadd.f32 v42, v41;
	v45, _, _ =	vpop (xrf2);
	[tilespmem:$0x1FF70] =	vst v46;
	v46 =	vld [tilespmem:$0x2510]  }
0x161: {  	v19 =	vadd.f32 v21, v19;
	v21 =	vmul.f32 v44, v43;
	v49, _, _ =	vpop (xrf2);
	v29 =	vmul.f32 v48, v47;
	v53 =	vld [tilespmem:$0x1FEC0]  }
0x162: {  	v7 =	vadd.f32 v9, v7;
	v9 =	vbroadcast v49, $0xF;
	v49 =	vld [tilespmem:$0x2720]  }
0x163: {  	(xrf2) =	vadd.scan.msk.f32 $0xffff, v1;
	v1 =	vadd.f32 v29, v21;
	v29 =	vld [tilespmem:$0x1700]  }
0x164: {  	v32 =	vmul.f32 v51, v50;
	v51 =	vld [tilespmem:$0x1730]  }
0x165: {  	[tilespmem:$0x1FF80] =	vst v46;
	v46 =	vld [tilespmem:$0x1520]  }
0x166: {  	v21 =	vmul.f32 v53, v52;
	v54 =	vld [tilespmem:$0x1FED0]  }
0x167: {  	v53 =	vld [tilespmem:$0x2730]  }
0x168: {  	v21 =	vadd.f32 v21, v32;
	v32 =	vld [tilespmem:$0x2710]  }
0x169: {  	v55 =	vld [tilespmem:$0x1FEE0]  }
0x16a: {  	[tilespmem:$0x1FF90] =	vst v46;
	v46 =	vld [tilespmem:$0x2520]  }
0x16b: {  	v56 =	vld [tilespmem:$0x1FEF0]  }
0x16c: {  	v58 =	vld [tilespmem:$0x1FF10]  }
0x16d: {  	v59 =	vld [tilespmem:$0x1FF20]  }
0x16e: {  	v34 =	vmul.f32 v55, v54;
	v55 =	vld [tilespmem:$0x1780]  }
0x16f: {  	[tilespmem:$0x1FFA0] =	vst v46;
	v46 =	vld [tilespmem:$0x1530]  }
0x170: {  	v57 =	vld [tilespmem:$0x1FF00]  }
0x171: {  	v60 =	vld [tilespmem:$0x1FF30]  }
0x172: {  	v37 =	vmul.f32 v59, v58;
	v59 =	vld [tilespmem:$0x2780]  }
0x173: {  	v61 =	vld [tilespmem:$0x1FF40]  }
0x174: {  	[tilespmem:$0x1FFB0] =	vst v46;
	v46 =	vld [tilespmem:$0x2530]  }
0x175: {  	v40 =	vld [tilespmem:$0x1FF50]  }
0x176: {  	v41 =	vld [tilespmem:$0x1FF60]  }
0x177: {  	v42 =	vld [tilespmem:$0x1FF70]  }
0x178: {  	v27 =	vbroadcast v45, $0xF;
	v43 =	vld [tilespmem:$0x1FF80]  }
0x179: {  	v4 =	vmul.f32 v6, v4;
	[tilespmem:$0x1FFC0] =	vst v46;
	v46 =	vld [tilespmem:$0x1580]  }
0x17a: {  	v16 =	vmul.f32 v18, v16;
	v8 =	vmul.f32 v10, v8;
	v27 =	vadd.f32 v27, v0;
	v44 =	vld [tilespmem:$0x1FF90]  }
0x17b: {  	v35 =	vmul.f32 v57, v56;
	v38 =	vmul.f32 v61, v60;
	v45 =	vld [tilespmem:$0x1FFA0]  }
0x17c: {  	v9 =	vadd.f32 v9, v0;
	v0 =	vsel vm0, v27, v0;
	v52 =	vmul.f32 v14, v12;
	v47 =	vld [tilespmem:$0x1FFB0]  }
0x17d: {  	(xrf2) =	vadd.scan.msk.f32 $0xffff, v2;
	v57 =	vmul.f32 v13, v11;
	v62 =	vadd.f32 v35, v34;
	v63 =	vadd.f32 v38, v37;
	v48 =	vld [tilespmem:$0x1FFC0]  }
0x17e: {  	v1 =	vadd.f32 v21, v1;
	v34 =	vmul.f32 v33, v31;
	v58 =	vmul.f32 v17, v15;
	[tilespmem:$0x1FFD0] =	vst v46;
	v46 =	vld [tilespmem:$0x2580]  }
0x17f: {  	(xrf2) =	vadd.scan.msk.f32 $0xffff, v3;
	v60 =	vmul.f32 v22, v20;
	v2 =	vadd.f32 v63, v62;
	v62 =	vmul.f32 v26, v24;
	v50 =	vld [tilespmem:$0x1FFD0]  }
0x180: {  	v56 =	vadd.f32 v52, v8;
	v61, _, _ =	vpop (xrf2);
	v38 =	vld [tilespmem:$0x1720];
	v35 =	vmul.f32 v41, v40;
	v37 =	vmul.f32 v43, v42  }
0x181: {  	(xrf2) =	vadd.scan.msk.f32 $0xffff, v5;
	v10 =	vadd.f32 v60, v58;
	v63 =	vld [tilespmem:$0x1790];
	v24 =	vbroadcast v61, $0xF;
	v26 =	vmul.f32 v30, v28  }
0x182: {  	(xrf2) =	vadd.scan.msk.f32 $0xffff, v19;
	v28 =	vadd.f32 v57, v16;
	v30 =	vmul.f32 v25, v23;
	v3 =	vadd.f32 v37, v35;
	v35 =	vld [tilespmem:$0x17A0]  }
0x183: {  	(xrf2) =	vadd.scan.msk.f32 $0xffff, v7;
	v5 =	vadd.f32 v24, v0;
	v37 =	vld [tilespmem:$0x27A0];
	v21 =	vmul.f32 v45, v44;
	v40 =	vmul.f32 v48, v47  }
0x184: {  	(xrf2) =	vadd.scan.msk.f32 $0xffff, v1;
	v1 =	vadd.f32 v26, v62;
	v8 =	vadd.f32 v34, v30;
	v44 =	vld [tilespmem:$0x27B0];
	v27 =	vmul.f32 v46, v50  }
0x185: {  	v6 =	vmul.f32 v53, v51;
	(xrf2) =	vadd.scan.msk.f32 $0xffff, v2;
	v2 =	vadd.f32 v10, v28;
	v54 =	vadd.f32 v40, v21;
	v40 =	vld [tilespmem:$0x17B0]  }
0x186: {  	v0 =	vsel vm1, v0, v9;
	v1 =	vadd.f32 v8, v1;
	v4 =	vadd.f32 v4, v27;
	v27 =	vld [tilespmem:$0x2790]  }
0x187: {  	v42 =	vmul.f32 v36, v29;
	v43 =	vmul.f32 v32, v39;
	v3 =	vadd.f32 v54, v3  }
0x188: {  	v53 =	vmul.f32 v37, v35;
	v45 =	vmul.f32 v49, v38;
	v46, _, _ =	vpop (xrf2);
	v4 =	vadd.f32 v56, v4  }
0x189: {  	v5 =	vsel vm2, v0, v5;
	v48 =	vmul.f32 v59, v55;
	(xrf2) =	vadd.scan.msk.f32 $0xffff, v3;
	v47 =	vbroadcast v46, $0xF;
	v49, _, _ =	vpop (xrf2)  }
0x18a: {  	v50 =	vadd.f32 v6, v45;
	v3 =	vadd.f32 v43, v42;
	v52 =	vbroadcast v49, $0xF;
	(xrf2) =	vadd.scan.msk.f32 $0xffff, v4  }
0x18b: {  	v54, _, _ =	vpop (xrf2);
	v7 =	vadd.f32 v47, v0;
	v51 =	vmul.f32 v27, v63;
	(xrf2) =	vadd.scan.msk.f32 $0xffff, v2;
	v2 =	vmul.f32 v44, v40  }
0x18c: {  	v55 =	vbroadcast v54, $0xF;
	v0 =	vadd.f32 v52, v0;
	v56, _, _ =	vpop (xrf2);
	(xrf2) =	vadd.scan.msk.f32 $0xffff, v1;
	v1 =	vadd.f32 v50, v3  }
0x18d: {  	v5 =	vsel vm3, v5, v7;
	v3 =	vadd.f32 v51, v48;
	v2 =	vadd.f32 v2, v53  }
0x18e: {  	v58 =	vbroadcast v56, $0xF;
	v59, _, _ =	vpop (xrf2);
	v57 =	vadd.f32 v55, v5  }
0x18f: {  	v0 =	vsel vm4, v5, v0;
	v60 =	vbroadcast v59, $0xF;
	v2 =	vadd.f32 v2, v3  }
0x190: {  	v4 =	vsel vm5, v0, v57  }
0x191: {  	v0 =	vadd.f32 v58, v0;
	(xrf2) =	vadd.scan.msk.f32 $0xffff, v1;
	v3 =	vadd.f32 v60, v4;
	v1, _, _ =	vpop (xrf2)  }
0x192: {  	v1 =	vbroadcast v1, $0xF;
	v61, _, _ =	vpop (xrf2)  }
0x193: {  	v0 =	vsel vm6, v4, v0;
	(xrf2) =	vadd.scan.msk.f32 $0xffff, v2;
	v5 =	vbroadcast v61, $0xF;
	v2, _, _ =	vpop (xrf2)  }
0x194: {  	v0 =	vsel vm7, v0, v3;
	v1 =	vadd.f32 v1, v4;
	v2 =	vbroadcast v2, $0xF  }
0x195: {  	v3, _, _ =	vpop (xrf2);
	v62 =	vadd.f32 v5, v0  }
0x196: {  	v0 =	vsel vm8, v0, v1;
	v1 =	vbroadcast v3, $0xF  }
0x197: {  	v3, _, _ =	vpop (xrf2);
	v4 =	vsel vm9, v0, v62;
	v0 =	vadd.f32 v2, v0  }
0x198: {  	v1 =	vadd.f32 v1, v4;
	v2, _, _ =	vpop (xrf2)  }
0x199: {  	v0 =	vsel vm10, v4, v0;
	v2 =	vbroadcast v2, $0xF  }
0x19a: {  	v3 =	vbroadcast v3, $0xF;
	v0 =	vsel vm11, v0, v1  }
0x19b: {  	v2 =	vadd.f32 v2, v0  }
0x19c: {  	v63, _, _ =	vpop (xrf2);
	v1 =	vadd.f32 v3, v4  }
0x19d: {  	v3 =	vbroadcast v63, $0xF  }
0x19e: {  	p0 =	sne.s32 s21, $0x780;
	v0 =	vsel vm12, v0, v1  }
.Ltmp1:
0x19f: {  	v1 =	vsel vm13, v0, v2;
	v0 =	vadd.f32 v3, v0;
	v2, _, _ =	vpop (xrf2);
	(pc) =	sbr.rel @p0 .LBB2_4-.Ltmp1, $4  }
0x1a0: {  	v2 =	vadd.f32 v2, v1  }
0x1a1: {  	v0 =	vsel vm14, v1, v0  }
0x1a2: {  	v0 =	vsel vm15, v0, v2  }
0x1a3: {  	s21 =	sadd.s32 $0x80, s21;
	[tilespmem:s22+$0x4810] =	vst v0;
	v0 =	vld [tilespmem:$0x1FFF0]  }
0x1a4: {  	s20 =	sadd.s32 $0x1, s20  }
0x1a5: {  	p0 =	sne.s32 s20, s10  }
.Ltmp2:
0x1a6: {  	_ = 	snop;
	(pc) =	sbr.rel @p0 .LBB2_1-.Ltmp2, $4  }
0x1a7: {  	[hbm4b:s9+s2] =	stream.linear.scatter [tilespmem:s19], [sflag:$0x2], $0x200, $0x38;
	[tilespmem:$0x4A00] =	vst v63  }
0x1a8: {  	_ =	swait.ge [sflag:s11], $0x200  }
0x1a9: {  	[sflag:s11] =	ssyncset.done $0x0  }
0x1aa: {  	[sflag:s11] =	ssyncadd.s32 $0xFFFFFE00  }
0x1ab: {  	_ =	sfence.sel $0x180000  }
0x1ac: {  	[bflag:$0x0] =	sbarrier.arrive $0xFFFF  }
0x1ad: {  	p0 =	sne.s32 s3, $0x0;
	_ =	strace $0x90000047  }
0x1ae: {  	s0 =	sadd.s32 @!p0 $0x100000, s0;
	[bflag:$0x2] =	sbarrier.arrive $0xFFFF  }
0x1af: {  	[sflag:s0] =	ssyncadd.tile.s32 @!p0 $0x1;
	_ =	shalt  }
.Lfunc_end2:
_tile_overlayer_lowered:
.L_overlay_start_2:
0x1b0: {  	(tag) =	ssettag $0x2  }
0x1b1: {  	s0 =	rddreg [dreg:$0x0];
	s2 =	stileid.u32  }
0x1b2: {  	s1 =	rddreg [dreg:$0x1];
	p0 =	sne.s32 s2, $0x0  }
0x1b3: {  	s3 =	rddreg [dreg:$0x2];
	[bflag:$0x3] =	sbarrier.arrive $0xFFFF;
	s2 =	simm.s32 @!p0 $0x1C02  }
0x1b4: {  	[timem:s3], [sflag:s2] =	dma.local @!p0 [hbm:s0], s1  }
0x1b5: {  	s0 =	simm.s32 @!p0 $0x2  }
0x1b6: {  	_ =	swait.ge @!p0 [sflag:s0], s1  }
0x1b7: {  	s1 =	ssub.s32 @!p0 $0x0, s1;
	[sflag:s0] =	ssyncset.done @!p0 $0x0  }
0x1b8: {  	[sflag:s0] =	ssyncadd.s32 @!p0 s1  }
0x1b9: {  	[bflag:$0x3] =	sbarrier.arrive $0xFFFF  }
0x1ba: {  	_ =	shalt  }

</sc_bundles>
